<compile_context>
chip_gen: v7x
topology: tpu7x:2x2x1
jax: 0.10.2.dev20260603
libtpu: 0.0.44.dev20260713+nightly
codegen_flags: <defaults>
</compile_context>

<pallas_src>
import functools

import jax
import jax.numpy as jnp
from jax import lax
from jax.experimental import pallas as pl
from jax.experimental.pallas import tpu as pltpu
from jax.experimental.pallas import tpu_sc as plsc

N = 10000
E = 320000
D = 128
H = 32

NW = 32
KB = 79
EPW = KB * 128
EPAD = NW * EPW
NPAD = 10112
RPT = NPAD // 16

ROWB = 2000
DEC_BR = 200


def _mm_body(x_ref, ws_ref, wn_ref, s_ref, p_ref):
    x = x_ref[...]
    s_ref[...] = jnp.dot(x, ws_ref[...], preferred_element_type=jnp.float32)
    p_ref[...] = jnp.dot(x, wn_ref[...], preferred_element_type=jnp.float32)


def _matmul2(x, ws, wn):
    return pl.pallas_call(
        _mm_body,
        grid=(N // ROWB,),
        in_specs=[pl.BlockSpec((ROWB, D), lambda i: (i, 0)),
                  pl.BlockSpec((D, H), lambda i: (0, 0)),
                  pl.BlockSpec((D, H), lambda i: (0, 0))],
        out_specs=[pl.BlockSpec((ROWB, H), lambda i: (i, 0))] * 2,
        out_shape=[jax.ShapeDtypeStruct((N, H), jnp.float32)] * 2,
    )(x, ws, wn)


def _sc_aggregate(table, srcw, dstw, zagg, zdeg, ones16, with_deg):
    mesh = plsc.VectorSubcoreMesh(core_axis_name="c", subcore_axis_name="s")

    out_type = [jax.ShapeDtypeStruct((NPAD, H), jnp.float32),
                jax.ShapeDtypeStruct((NPAD, H), jnp.float32)]
    scratch = [pltpu.VMEM((KB, 128), jnp.int32),
               pltpu.VMEM((KB, 128), jnp.int32),
               pltpu.VMEM((128, H), jnp.float32),
               pltpu.VMEM((128, H), jnp.float32),
               pltpu.VMEM((128, H), jnp.float32),
               pltpu.VMEM_SHARED((NPAD, H), jnp.float32),
               pltpu.SemaphoreType.DMA,
               pltpu.SemaphoreType.DMA,
               pltpu.SemaphoreType.DMA,
               pltpu.SemaphoreType.DMA,
               pltpu.SemaphoreType.DMA,
               pltpu.SemaphoreType.DMA]
    if with_deg:
        out_type += [jax.ShapeDtypeStruct((NPAD, 16), jnp.float32),
                     jax.ShapeDtypeStruct((NPAD, 16), jnp.float32)]
        scratch += [pltpu.VMEM((128, 16), jnp.float32),
                    pltpu.VMEM_SHARED((NPAD, 16), jnp.float32)]

    def body(*refs):
        if with_deg:
            (tab_hbm, src_hbm, dst_hbm, zagg_hbm, zdeg_hbm, ones_hbm,
             agg0_hbm, agg1_hbm, deg0_hbm, deg1_hbm,
             src_v, dst_v, r0, r1, r2, sh_agg, g0, g1, g2, s0, s1_, s2,
             ones_v, sh_deg) = refs
        else:
            (tab_hbm, src_hbm, dst_hbm, zagg_hbm,
             agg0_hbm, agg1_hbm,
             src_v, dst_v, r0, r1, r2, sh_agg, g0, g1, g2, s0, s1_, s2) = refs
        rows = [r0, r1, r2]
        sem_g = [g0, g1, g2]
        sem_s = [s0, s1_, s2]
        c = lax.axis_index("c")
        s = lax.axis_index("s")
        w = s * 2 + c

        @pl.when(s == 0)
        def _():
            pltpu.sync_copy(zagg_hbm, sh_agg)
            if with_deg:
                pltpu.sync_copy(zdeg_hbm, sh_deg)

        pltpu.sync_copy(src_hbm.at[w], src_v)
        pltpu.sync_copy(dst_hbm.at[w], dst_v)
        if with_deg:
            pltpu.sync_copy(ones_hbm, ones_v)
        plsc.subcore_barrier()

        def gather(j, b):
            pltpu.async_copy(tab_hbm.at[src_v.at[j]], rows[b], sem_g[b])

        def wait_g(j, b):
            pltpu.make_async_copy(
                tab_hbm.at[src_v.at[j]], rows[b], sem_g[b]).wait()

        def scatter(j, b):
            pltpu.async_copy(rows[b], sh_agg.at[dst_v.at[j]], sem_s[b],
                             add=True)
            if with_deg:
                pltpu.async_copy(ones_v, sh_deg.at[dst_v.at[j]], sem_s[b],
                                 add=True)

        def wait_s(j, b):
            pltpu.make_async_copy(
                rows[b], sh_agg.at[dst_v.at[j]], sem_s[b]).wait()
            if with_deg:
                pltpu.make_async_copy(
                    ones_v, sh_deg.at[dst_v.at[j]], sem_s[b]).wait()

        def slot(j, ws=True, g=True):
            b = j % 3
            wait_g(j, b)
            scatter(j, b)
            if ws:
                wait_s(j - 1, (j - 1) % 3)
            if g:
                gather(j + 2, (j + 2) % 3)

        gather(0, 0)
        gather(1, 1)
        slot(0, ws=False)
        slot(1)

        def step(jj, carry):
            j0 = jj * 3 + 2
            for k in range(3):
                j = j0 + k
                b = (2 + k) % 3
                wait_g(j, b)
                scatter(j, b)
                wait_s(j - 1, (b + 2) % 3)
                gather(j + 2, (b + 2) % 3)
            return carry

        lax.fori_loop(0, (KB - 4) // 3, step, 0)
        slot(KB - 2, g=False)
        slot(KB - 1, g=False)
        wait_s(KB - 1, (KB - 1) % 3)
        plsc.subcore_barrier()

        row0 = s * RPT

        @pl.when(c == 0)
        def _():
            pltpu.sync_copy(sh_agg.at[pl.ds(row0, RPT)],
                            agg0_hbm.at[pl.ds(row0, RPT)])
            if with_deg:
                pltpu.sync_copy(sh_deg.at[pl.ds(row0, RPT)],
                                deg0_hbm.at[pl.ds(row0, RPT)])

        @pl.when(c == 1)
        def _():
            pltpu.sync_copy(sh_agg.at[pl.ds(row0, RPT)],
                            agg1_hbm.at[pl.ds(row0, RPT)])
            if with_deg:
                pltpu.sync_copy(sh_deg.at[pl.ds(row0, RPT)],
                                deg1_hbm.at[pl.ds(row0, RPT)])

    k = functools.partial(
        pl.kernel, mesh=mesh, out_type=out_type, scratch_types=scratch,
        compiler_params=pltpu.CompilerParams(use_tc_tiling_on_sc=False),
    )(body)
    if with_deg:
        return k(table, srcw, dstw, zagg, zdeg, ones16)
    return k(table, srcw, dstw, zagg)


def _h_body(s1_ref, a0_ref, a1_ref, d0_ref, d1_ref, b_ref, h_ref):
    deg = d0_ref[:, 0:1] + d1_ref[:, 0:1]
    recip = 1.0 / jnp.maximum(deg, 1.0)
    agg = a0_ref[...] + a1_ref[...]
    h_ref[...] = jnp.maximum(s1_ref[...] + agg * recip + b_ref[...], 0.0)


def _h_combine(s1, agg0, agg1, deg0, deg1, b1):
    row2 = lambda i: (i, 0)
    return pl.pallas_call(
        _h_body,
        grid=(N // ROWB,),
        in_specs=[pl.BlockSpec((ROWB, H), row2),
                  pl.BlockSpec((ROWB, H), row2),
                  pl.BlockSpec((ROWB, H), row2),
                  pl.BlockSpec((ROWB, 16), row2),
                  pl.BlockSpec((ROWB, 16), row2),
                  pl.BlockSpec((1, H), lambda i: (0, 0))],
        out_specs=pl.BlockSpec((ROWB, H), row2),
        out_shape=jax.ShapeDtypeStruct((N, H), jnp.float32),
    )(s1, agg0, agg1, deg0, deg1, b1.reshape(1, H))


def _mll_body(h_ref, a0_ref, a1_ref, d0_ref, d1_ref,
              wsm_ref, wnm_ref, bm_ref, wsl_ref, wnl_ref, bl_ref, eps_ref,
              mu_ref, ls_ref, z_ref):
    deg = d0_ref[:, 0:1] + d1_ref[:, 0:1]
    recip = 1.0 / jnp.maximum(deg, 1.0)
    m = (a0_ref[...] + a1_ref[...]) * recip
    h = h_ref[...]
    mu = (jnp.dot(h, wsm_ref[...], preferred_element_type=jnp.float32)
          + jnp.dot(m, wnm_ref[...], preferred_element_type=jnp.float32)
          + bm_ref[...])
    ls = (jnp.dot(h, wsl_ref[...], preferred_element_type=jnp.float32)
          + jnp.dot(m, wnl_ref[...], preferred_element_type=jnp.float32)
          + bl_ref[...])
    mu_ref[...] = mu
    ls_ref[...] = ls
    z_ref[...] = mu + eps_ref[...] * jnp.exp(ls)


def _mu_logstd_z(h, agg0, agg1, deg0, deg1, Wsm, Wnm, bm, Wsl, Wnl, bl, eps):
    row = lambda i: (i, 0)
    fix = lambda i: (0, 0)
    return pl.pallas_call(
        _mll_body,
        grid=(N // ROWB,),
        in_specs=[pl.BlockSpec((ROWB, H), row),
                  pl.BlockSpec((ROWB, H), row),
                  pl.BlockSpec((ROWB, H), row),
                  pl.BlockSpec((ROWB, 16), row),
                  pl.BlockSpec((ROWB, 16), row),
                  pl.BlockSpec((H, H), fix),
                  pl.BlockSpec((H, H), fix),
                  pl.BlockSpec((1, H), fix),
                  pl.BlockSpec((H, H), fix),
                  pl.BlockSpec((H, H), fix),
                  pl.BlockSpec((1, H), fix),
                  pl.BlockSpec((ROWB, H), row)],
        out_specs=[pl.BlockSpec((ROWB, H), row)] * 3,
        out_shape=[jax.ShapeDtypeStruct((N, H), jnp.float32)] * 3,
    )(h, agg0, agg1, deg0, deg1, Wsm, Wnm, bm.reshape(1, H),
      Wsl, Wnl, bl.reshape(1, H), eps)


def _dec_body(zi_ref, zj_ref, o_ref):
    d = jnp.dot(zi_ref[...], zj_ref[...], preferred_element_type=jnp.float32)
    o_ref[...] = 0.5 * jnp.tanh(0.5 * d) + 0.5


def _decode(z, zT):
    return pl.pallas_call(
        _dec_body,
        grid=(N // DEC_BR,),
        in_specs=[pl.BlockSpec((DEC_BR, H), lambda i: (i, 0)),
                  pl.BlockSpec((H, N), lambda i: (0, 0))],
        out_specs=pl.BlockSpec((DEC_BR, N), lambda i: (i, 0)),
        out_shape=jax.ShapeDtypeStruct((N, N), jnp.float32),
    )(z, zT)


def kernel(n_feats, edge_index, Ws1, Wn1, b1, Wsm, Wnm, bm, Wsl, Wnl, bl):
    src = edge_index[0]
    dst = edge_index[1]
    pad = EPAD - E
    srcw = jnp.concatenate(
        [src, jnp.zeros((pad,), jnp.int32)]).reshape(NW, KB, 128)
    dstw = jnp.concatenate(
        [dst, jnp.full((pad,), N, jnp.int32)]).reshape(NW, KB, 128)
    zagg = jnp.zeros((NPAD, H), jnp.float32)
    zdeg = jnp.zeros((NPAD, 16), jnp.float32)
    ones16 = jnp.ones((128, 16), jnp.float32)

    s1, p = _matmul2(n_feats, Ws1, Wn1)

    agg0, agg1, deg0, deg1 = _sc_aggregate(
        p, srcw, dstw, zagg, zdeg, ones16, True)
    h = _h_combine(s1, agg0, agg1, deg0, deg1, b1)

    ah0, ah1 = _sc_aggregate(h, srcw, dstw, zagg, zdeg, ones16, False)

    eps = jax.random.normal(jax.random.key(42), (N, H), dtype=jnp.float32)
    mu, logstd, z = _mu_logstd_z(
        h, ah0, ah1, deg0, deg1, Wsm, Wnm, bm, Wsl, Wnl, bl, eps)

    adj = _decode(z, z.T)
    return adj, mu, logstd

# --- scband reference (transcript-rebuilt; emitter-appended) ---
"""Pipeline reference for scband-vgae-62697932587536 (READ-ONLY COPY).

The authoritative reference and input builder live on the scoring server;
editing this copy changes nothing except your own understanding.
"""

import jax, jax.numpy as jnp
import numpy as np

N = 10000
E = 320000
D = 128
H = 32


def _sage(x, src, dst, Ws, Wn, b):
    msg = jnp.take(x, src, axis=0)
    agg = jax.ops.segment_sum(msg, dst, num_segments=N)
    deg = jax.ops.segment_sum(jnp.ones((src.shape[0], 1), jnp.float32), dst, num_segments=N)
    mean = agg / jnp.maximum(deg, 1.0)
    return x @ Ws + mean @ Wn + b


def setup_inputs(seed: int = 0) -> dict:
    key = jax.random.key(seed)
    ks = jax.random.split(key, 12)
    n_feats = jax.random.normal(ks[0], (N, D), dtype=jnp.float32)
    edge_index = jax.random.randint(ks[1], (2, E), 0, N, dtype=jnp.int32)
    s1 = 1.0 / np.sqrt(D)
    s2 = 1.0 / np.sqrt(H)
    return {
        "n_feats": n_feats,
        "edge_index": edge_index,
        "Ws1": jax.random.normal(ks[2], (D, H), jnp.float32) * s1,
        "Wn1": jax.random.normal(ks[3], (D, H), jnp.float32) * s1,
        "b1": jnp.zeros((H,), jnp.float32),
        "Wsm": jax.random.normal(ks[4], (H, H), jnp.float32) * s2,
        "Wnm": jax.random.normal(ks[5], (H, H), jnp.float32) * s2,
        "bm": jnp.zeros((H,), jnp.float32),
        "Wsl": jax.random.normal(ks[6], (H, H), jnp.float32) * s2,
        "Wnl": jax.random.normal(ks[7], (H, H), jnp.float32) * s2,
        "bl": jnp.zeros((H,), jnp.float32),
    }


def reference(n_feats, edge_index, Ws1, Wn1, b1, Wsm, Wnm, bm, Wsl, Wnl, bl):
    src = edge_index[0]
    dst = edge_index[1]
    # encode
    h = _sage(n_feats, src, dst, Ws1, Wn1, b1)
    h = jax.nn.relu(h)
    mu = _sage(h, src, dst, Wsm, Wnm, bm)
    logstd = _sage(h, src, dst, Wsl, Wnl, bl)
    # reparameterize (fixed noise key for determinism)
    eps = jax.random.normal(jax.random.key(42), logstd.shape, dtype=jnp.float32)
    z = mu + eps * jnp.exp(logstd)
    # decode
    adj = jax.nn.sigmoid(z @ z.T)
    return adj, mu, logstd

if __name__ == "__main__":
    import jax
    _d = setup_inputs()
    print(jax.jit(kernel)(*tuple(_d.values())))

</pallas_src>

<mosaic_0001>
#map = affine_map<(d0, d1) -> (0, 0)>
#map1 = affine_map<(d0, d1) -> (0, 0, 0)>
module attributes {stable_mosaic.version = 14 : i64} {
  func.func @body(%arg0: i32, %arg1: i32, %arg2: memref<10000x32xf32, #tpu.memory_space<hbm>>, %arg3: memref<32x79x128xi32, #tpu.memory_space<hbm>>, %arg4: memref<32x79x128xi32, #tpu.memory_space<hbm>>, %arg5: memref<10112x32xf32, #tpu.memory_space<hbm>>, %arg6: memref<10112x32xf32, #tpu.memory_space<hbm>>, %arg7: memref<10112x32xf32, #tpu.memory_space<hbm>>, %arg8: memref<79x128xi32, #tpu.memory_space<vmem>>, %arg9: memref<79x128xi32, #tpu.memory_space<vmem>>, %arg10: memref<128x32xf32, #tpu.memory_space<vmem>>, %arg11: memref<128x32xf32, #tpu.memory_space<vmem>>, %arg12: memref<128x32xf32, #tpu.memory_space<vmem>>, %arg13: memref<10112x32xf32, #tpu.memory_space<vmem_shared>>, %arg14: memref<!tpu.dma_semaphore, #tpu.memory_space<semaphore_mem>>, %arg15: memref<!tpu.dma_semaphore, #tpu.memory_space<semaphore_mem>>, %arg16: memref<!tpu.dma_semaphore, #tpu.memory_space<semaphore_mem>>, %arg17: memref<!tpu.dma_semaphore, #tpu.memory_space<semaphore_mem>>, %arg18: memref<!tpu.dma_semaphore, #tpu.memory_space<semaphore_mem>>, %arg19: memref<!tpu.dma_semaphore, #tpu.memory_space<semaphore_mem>>) attributes {dimension_semantics = [#tpu.dimension_semantics<core_parallel>, #tpu.dimension_semantics<subcore_parallel>], iteration_bounds = array<i64: 2, 16>, scalar_prefetch = 0 : i64, scratch_operands = 12 : i64, tpu.core_type = #tpu.core_type<sc_vector_subcore>, window_params = [{transform_indices = #map}, {transform_indices = #map1}, {transform_indices = #map1}, {transform_indices = #map}, {transform_indices = #map}, {transform_indices = #map}]} {
    %mul3A = arith.constant 2 : i32
    %mul3A_0 = arith.muli %arg1, %mul3A : i32
    %add3A = arith.addi %mul3A_0, %arg0 : i32
    %eq3A = arith.constant 0 : i32
    %eq3A_1 = arith.cmpi eq, %arg1, %eq3A : i32
    %convert_element_type3A = arith.extui %eq3A_1 : i1 to i32
    %cond3A = arith.constant 0 : i32
    %cond3A_2 = arith.cmpi ne, %convert_element_type3A, %cond3A : i32
    scf.if %cond3A_2 {
      "tpu.region"() ({
        %run_scoped3A = tpu.sem_alloc : memref<!tpu.dma_semaphore, #tpu.memory_space<semaphore_mem>>
        tpu.enqueue_dma source(%arg5 : memref<10112x32xf32, #tpu.memory_space<hbm>>) target(%arg13 : memref<10112x32xf32, #tpu.memory_space<vmem_shared>>) target_semaphore(%run_scoped3A : memref<!tpu.dma_semaphore, #tpu.memory_space<semaphore_mem>>)
        tpu.wait_dma2 semaphore(%run_scoped3A : memref<!tpu.dma_semaphore, #tpu.memory_space<semaphore_mem>>) src(%arg5 : memref<10112x32xf32, #tpu.memory_space<hbm>>) dst(%arg13 : memref<10112x32xf32, #tpu.memory_space<vmem_shared>>)
        tpu.yield
      }) : () -> ()
    } else {
    }
    "tpu.region"() ({
      %run_scoped3A = tpu.sem_alloc : memref<!tpu.dma_semaphore, #tpu.memory_space<semaphore_mem>>
      %dma_start3A_131 = arith.constant 0 : i32
      %dma_start3A_132 = arith.constant 0 : i32
      %dma_start3A_133 = tpu.memref_slice %arg3[%add3A, %dma_start3A_131, %dma_start3A_132] : memref<32x79x128xi32, #tpu.memory_space<hbm>> -> memref<1x79x128xi32, #tpu.memory_space<hbm>>
      %dma_start3A_134 = tpu.memref_squeeze %dma_start3A_133 : memref<1x79x128xi32, #tpu.memory_space<hbm>> -> memref<79x128xi32, #tpu.memory_space<hbm>>
      %dma_start3A_135 = arith.constant 0 : i32
      %dma_start3A_136 = arith.constant 0 : i32
      %dma_start3A_137 = tpu.memref_slice %arg3[%add3A, %dma_start3A_135, %dma_start3A_136] : memref<32x79x128xi32, #tpu.memory_space<hbm>> -> memref<1x79x128xi32, #tpu.memory_space<hbm>>
      %dma_start3A_138 = tpu.memref_squeeze %dma_start3A_137 : memref<1x79x128xi32, #tpu.memory_space<hbm>> -> memref<79x128xi32, #tpu.memory_space<hbm>>
      tpu.enqueue_dma source(%dma_start3A_138 : memref<79x128xi32, #tpu.memory_space<hbm>>) target(%arg8 : memref<79x128xi32, #tpu.memory_space<vmem>>) target_semaphore(%run_scoped3A : memref<!tpu.dma_semaphore, #tpu.memory_space<semaphore_mem>>)
      %dma_wait3A_139 = arith.constant 0 : i32
      %dma_wait3A_140 = arith.constant 0 : i32
      %dma_wait3A_141 = tpu.memref_slice %arg3[%add3A, %dma_wait3A_139, %dma_wait3A_140] : memref<32x79x128xi32, #tpu.memory_space<hbm>> -> memref<1x79x128xi32, #tpu.memory_space<hbm>>
      %dma_wait3A_142 = tpu.memref_squeeze %dma_wait3A_141 : memref<1x79x128xi32, #tpu.memory_space<hbm>> -> memref<79x128xi32, #tpu.memory_space<hbm>>
      %dma_wait3A_143 = arith.constant 0 : i32
      %dma_wait3A_144 = arith.constant 0 : i32
      %dma_wait3A_145 = tpu.memref_slice %arg3[%add3A, %dma_wait3A_143, %dma_wait3A_144] : memref<32x79x128xi32, #tpu.memory_space<hbm>> -> memref<1x79x128xi32, #tpu.memory_space<hbm>>
      %dma_wait3A_146 = tpu.memref_squeeze %dma_wait3A_145 : memref<1x79x128xi32, #tpu.memory_space<hbm>> -> memref<79x128xi32, #tpu.memory_space<hbm>>
      tpu.wait_dma2 semaphore(%run_scoped3A : memref<!tpu.dma_semaphore, #tpu.memory_space<semaphore_mem>>) src(%dma_wait3A_146 : memref<79x128xi32, #tpu.memory_space<hbm>>) dst(%arg8 : memref<79x128xi32, #tpu.memory_space<vmem>>)
      tpu.yield
    }) : () -> ()
    "tpu.region"() ({
      %run_scoped3A = tpu.sem_alloc : memref<!tpu.dma_semaphore, #tpu.memory_space<semaphore_mem>>
      %dma_start3A_131 = arith.constant 0 : i32
      %dma_start3A_132 = arith.constant 0 : i32
      %dma_start3A_133 = tpu.memref_slice %arg4[%add3A, %dma_start3A_131, %dma_start3A_132] : memref<32x79x128xi32, #tpu.memory_space<hbm>> -> memref<1x79x128xi32, #tpu.memory_space<hbm>>
      %dma_start3A_134 = tpu.memref_squeeze %dma_start3A_133 : memref<1x79x128xi32, #tpu.memory_space<hbm>> -> memref<79x128xi32, #tpu.memory_space<hbm>>
      %dma_start3A_135 = arith.constant 0 : i32
      %dma_start3A_136 = arith.constant 0 : i32
      %dma_start3A_137 = tpu.memref_slice %arg4[%add3A, %dma_start3A_135, %dma_start3A_136] : memref<32x79x128xi32, #tpu.memory_space<hbm>> -> memref<1x79x128xi32, #tpu.memory_space<hbm>>
      %dma_start3A_138 = tpu.memref_squeeze %dma_start3A_137 : memref<1x79x128xi32, #tpu.memory_space<hbm>> -> memref<79x128xi32, #tpu.memory_space<hbm>>
      tpu.enqueue_dma source(%dma_start3A_138 : memref<79x128xi32, #tpu.memory_space<hbm>>) target(%arg9 : memref<79x128xi32, #tpu.memory_space<vmem>>) target_semaphore(%run_scoped3A : memref<!tpu.dma_semaphore, #tpu.memory_space<semaphore_mem>>)
      %dma_wait3A_139 = arith.constant 0 : i32
      %dma_wait3A_140 = arith.constant 0 : i32
      %dma_wait3A_141 = tpu.memref_slice %arg4[%add3A, %dma_wait3A_139, %dma_wait3A_140] : memref<32x79x128xi32, #tpu.memory_space<hbm>> -> memref<1x79x128xi32, #tpu.memory_space<hbm>>
      %dma_wait3A_142 = tpu.memref_squeeze %dma_wait3A_141 : memref<1x79x128xi32, #tpu.memory_space<hbm>> -> memref<79x128xi32, #tpu.memory_space<hbm>>
      %dma_wait3A_143 = arith.constant 0 : i32
      %dma_wait3A_144 = arith.constant 0 : i32
      %dma_wait3A_145 = tpu.memref_slice %arg4[%add3A, %dma_wait3A_143, %dma_wait3A_144] : memref<32x79x128xi32, #tpu.memory_space<hbm>> -> memref<1x79x128xi32, #tpu.memory_space<hbm>>
      %dma_wait3A_146 = tpu.memref_squeeze %dma_wait3A_145 : memref<1x79x128xi32, #tpu.memory_space<hbm>> -> memref<79x128xi32, #tpu.memory_space<hbm>>
      tpu.wait_dma2 semaphore(%run_scoped3A : memref<!tpu.dma_semaphore, #tpu.memory_space<semaphore_mem>>) src(%dma_wait3A_146 : memref<79x128xi32, #tpu.memory_space<hbm>>) dst(%arg9 : memref<79x128xi32, #tpu.memory_space<vmem>>)
      tpu.yield
    }) : () -> ()
    %barrier3A = arith.constant 0 : index
    tpu.barrier barrier_id(%barrier3A)
    %dma_start3A = arith.constant 0 : i32
    %dma_start3A_3 = arith.constant 0 : i32
    %dma_start3A_4 = tpu.memref_slice %arg8[%dma_start3A, %dma_start3A_3] : memref<79x128xi32, #tpu.memory_space<vmem>> -> memref<1x128xi32, #tpu.memory_space<vmem>>
    %dma_start3A_5 = tpu.memref_squeeze %dma_start3A_4 : memref<1x128xi32, #tpu.memory_space<vmem>> -> memref<128xi32, #tpu.memory_space<vmem>>
    %dma_start3A_6 = arith.constant 0 : i32
    %dma_start3A_7 = arith.constant 0 : i32
    %dma_start3A_8 = tpu.memref_slice %arg2[%dma_start3A_6, %dma_start3A_7] : memref<10000x32xf32, #tpu.memory_space<hbm>> -> memref<10000x32xf32, #tpu.memory_space<hbm>>
    tpu.enqueue_indirect_dma source(%dma_start3A_8 : memref<10000x32xf32, #tpu.memory_space<hbm>>) target(%arg10 : memref<128x32xf32, #tpu.memory_space<vmem>>) offsets(%dma_start3A_5 : memref<128xi32, #tpu.memory_space<vmem>>) semaphore(%arg14 : memref<!tpu.dma_semaphore, #tpu.memory_space<semaphore_mem>>)
    %dma_start3A_9 = arith.constant 1 : i32
    %dma_start3A_10 = arith.constant 0 : i32
    %dma_start3A_11 = tpu.memref_slice %arg8[%dma_start3A_9, %dma_start3A_10] : memref<79x128xi32, #tpu.memory_space<vmem>> -> memref<1x128xi32, #tpu.memory_space<vmem>>
    %dma_start3A_12 = tpu.memref_squeeze %dma_start3A_11 : memref<1x128xi32, #tpu.memory_space<vmem>> -> memref<128xi32, #tpu.memory_space<vmem>>
    %dma_start3A_13 = arith.constant 0 : i32
    %dma_start3A_14 = arith.constant 0 : i32
    %dma_start3A_15 = tpu.memref_slice %arg2[%dma_start3A_13, %dma_start3A_14] : memref<10000x32xf32, #tpu.memory_space<hbm>> -> memref<10000x32xf32, #tpu.memory_space<hbm>>
    tpu.enqueue_indirect_dma source(%dma_start3A_15 : memref<10000x32xf32, #tpu.memory_space<hbm>>) target(%arg11 : memref<128x32xf32, #tpu.memory_space<vmem>>) offsets(%dma_start3A_12 : memref<128xi32, #tpu.memory_space<vmem>>) semaphore(%arg15 : memref<!tpu.dma_semaphore, #tpu.memory_space<semaphore_mem>>)
    %dma_wait3A = arith.constant 0 : i32
    %dma_wait3A_16 = arith.constant 0 : i32
    %dma_wait3A_17 = tpu.memref_slice %arg8[%dma_wait3A, %dma_wait3A_16] : memref<79x128xi32, #tpu.memory_space<vmem>> -> memref<1x128xi32, #tpu.memory_space<vmem>>
    %dma_wait3A_18 = tpu.memref_squeeze %dma_wait3A_17 : memref<1x128xi32, #tpu.memory_space<vmem>> -> memref<128xi32, #tpu.memory_space<vmem>>
    %dma_wait3A_19 = arith.constant 0 : i32
    %dma_wait3A_20 = arith.constant 0 : i32
    %dma_wait3A_21 = tpu.memref_slice %arg2[%dma_wait3A_19, %dma_wait3A_20] : memref<10000x32xf32, #tpu.memory_space<hbm>> -> memref<10000x32xf32, #tpu.memory_space<hbm>>
    tpu.wait_indirect_dma semaphore(%arg14 : memref<!tpu.dma_semaphore, #tpu.memory_space<semaphore_mem>>) src(%dma_wait3A_21 : memref<10000x32xf32, #tpu.memory_space<hbm>>) dst(%arg10 : memref<128x32xf32, #tpu.memory_space<vmem>>)
    %dma_start3A_22 = arith.constant 0 : i32
    %dma_start3A_23 = arith.constant 0 : i32
    %dma_start3A_24 = tpu.memref_slice %arg9[%dma_start3A_22, %dma_start3A_23] : memref<79x128xi32, #tpu.memory_space<vmem>> -> memref<1x128xi32, #tpu.memory_space<vmem>>
    %dma_start3A_25 = tpu.memref_squeeze %dma_start3A_24 : memref<1x128xi32, #tpu.memory_space<vmem>> -> memref<128xi32, #tpu.memory_space<vmem>>
    %dma_start3A_26 = arith.constant 0 : i32
    %dma_start3A_27 = arith.constant 0 : i32
    %dma_start3A_28 = tpu.memref_slice %arg13[%dma_start3A_26, %dma_start3A_27] : memref<10112x32xf32, #tpu.memory_space<vmem_shared>> -> memref<10112x32xf32, #tpu.memory_space<vmem_shared>>
    tpu.enqueue_indirect_dma source(%arg10 : memref<128x32xf32, #tpu.memory_space<vmem>>) target(%dma_start3A_28 : memref<10112x32xf32, #tpu.memory_space<vmem_shared>>) offsets(%dma_start3A_25 : memref<128xi32, #tpu.memory_space<vmem>>) semaphore(%arg17 : memref<!tpu.dma_semaphore, #tpu.memory_space<semaphore_mem>>) {add = true}
    %dma_start3A_29 = arith.constant 2 : i32
    %dma_start3A_30 = arith.constant 0 : i32
    %dma_start3A_31 = tpu.memref_slice %arg8[%dma_start3A_29, %dma_start3A_30] : memref<79x128xi32, #tpu.memory_space<vmem>> -> memref<1x128xi32, #tpu.memory_space<vmem>>
    %dma_start3A_32 = tpu.memref_squeeze %dma_start3A_31 : memref<1x128xi32, #tpu.memory_space<vmem>> -> memref<128xi32, #tpu.memory_space<vmem>>
    %dma_start3A_33 = arith.constant 0 : i32
    %dma_start3A_34 = arith.constant 0 : i32
    %dma_start3A_35 = tpu.memref_slice %arg2[%dma_start3A_33, %dma_start3A_34] : memref<10000x32xf32, #tpu.memory_space<hbm>> -> memref<10000x32xf32, #tpu.memory_space<hbm>>
    tpu.enqueue_indirect_dma source(%dma_start3A_35 : memref<10000x32xf32, #tpu.memory_space<hbm>>) target(%arg12 : memref<128x32xf32, #tpu.memory_space<vmem>>) offsets(%dma_start3A_32 : memref<128xi32, #tpu.memory_space<vmem>>) semaphore(%arg16 : memref<!tpu.dma_semaphore, #tpu.memory_space<semaphore_mem>>)
    %dma_wait3A_36 = arith.constant 1 : i32
    %dma_wait3A_37 = arith.constant 0 : i32
    %dma_wait3A_38 = tpu.memref_slice %arg8[%dma_wait3A_36, %dma_wait3A_37] : memref<79x128xi32, #tpu.memory_space<vmem>> -> memref<1x128xi32, #tpu.memory_space<vmem>>
    %dma_wait3A_39 = tpu.memref_squeeze %dma_wait3A_38 : memref<1x128xi32, #tpu.memory_space<vmem>> -> memref<128xi32, #tpu.memory_space<vmem>>
    %dma_wait3A_40 = arith.constant 0 : i32
    %dma_wait3A_41 = arith.constant 0 : i32
    %dma_wait3A_42 = tpu.memref_slice %arg2[%dma_wait3A_40, %dma_wait3A_41] : memref<10000x32xf32, #tpu.memory_space<hbm>> -> memref<10000x32xf32, #tpu.memory_space<hbm>>
    tpu.wait_indirect_dma semaphore(%arg15 : memref<!tpu.dma_semaphore, #tpu.memory_space<semaphore_mem>>) src(%dma_wait3A_42 : memref<10000x32xf32, #tpu.memory_space<hbm>>) dst(%arg11 : memref<128x32xf32, #tpu.memory_space<vmem>>)
    %dma_start3A_43 = arith.constant 1 : i32
    %dma_start3A_44 = arith.constant 0 : i32
    %dma_start3A_45 = tpu.memref_slice %arg9[%dma_start3A_43, %dma_start3A_44] : memref<79x128xi32, #tpu.memory_space<vmem>> -> memref<1x128xi32, #tpu.memory_space<vmem>>
    %dma_start3A_46 = tpu.memref_squeeze %dma_start3A_45 : memref<1x128xi32, #tpu.memory_space<vmem>> -> memref<128xi32, #tpu.memory_space<vmem>>
    %dma_start3A_47 = arith.constant 0 : i32
    %dma_start3A_48 = arith.constant 0 : i32
    %dma_start3A_49 = tpu.memref_slice %arg13[%dma_start3A_47, %dma_start3A_48] : memref<10112x32xf32, #tpu.memory_space<vmem_shared>> -> memref<10112x32xf32, #tpu.memory_space<vmem_shared>>
    tpu.enqueue_indirect_dma source(%arg11 : memref<128x32xf32, #tpu.memory_space<vmem>>) target(%dma_start3A_49 : memref<10112x32xf32, #tpu.memory_space<vmem_shared>>) offsets(%dma_start3A_46 : memref<128xi32, #tpu.memory_space<vmem>>) semaphore(%arg18 : memref<!tpu.dma_semaphore, #tpu.memory_space<semaphore_mem>>) {add = true}
    %dma_wait3A_50 = arith.constant 0 : i32
    %dma_wait3A_51 = arith.constant 0 : i32
    %dma_wait3A_52 = tpu.memref_slice %arg9[%dma_wait3A_50, %dma_wait3A_51] : memref<79x128xi32, #tpu.memory_space<vmem>> -> memref<1x128xi32, #tpu.memory_space<vmem>>
    %dma_wait3A_53 = tpu.memref_squeeze %dma_wait3A_52 : memref<1x128xi32, #tpu.memory_space<vmem>> -> memref<128xi32, #tpu.memory_space<vmem>>
    %dma_wait3A_54 = arith.constant 0 : i32
    %dma_wait3A_55 = arith.constant 0 : i32
    %dma_wait3A_56 = tpu.memref_slice %arg13[%dma_wait3A_54, %dma_wait3A_55] : memref<10112x32xf32, #tpu.memory_space<vmem_shared>> -> memref<10112x32xf32, #tpu.memory_space<vmem_shared>>
    tpu.wait_indirect_dma semaphore(%arg17 : memref<!tpu.dma_semaphore, #tpu.memory_space<semaphore_mem>>) src(%arg10 : memref<128x32xf32, #tpu.memory_space<vmem>>) dst(%dma_wait3A_56 : memref<10112x32xf32, #tpu.memory_space<vmem_shared>>)
    %dma_start3A_57 = arith.constant 3 : i32
    %dma_start3A_58 = arith.constant 0 : i32
    %dma_start3A_59 = tpu.memref_slice %arg8[%dma_start3A_57, %dma_start3A_58] : memref<79x128xi32, #tpu.memory_space<vmem>> -> memref<1x128xi32, #tpu.memory_space<vmem>>
    %dma_start3A_60 = tpu.memref_squeeze %dma_start3A_59 : memref<1x128xi32, #tpu.memory_space<vmem>> -> memref<128xi32, #tpu.memory_space<vmem>>
    %dma_start3A_61 = arith.constant 0 : i32
    %dma_start3A_62 = arith.constant 0 : i32
    %dma_start3A_63 = tpu.memref_slice %arg2[%dma_start3A_61, %dma_start3A_62] : memref<10000x32xf32, #tpu.memory_space<hbm>> -> memref<10000x32xf32, #tpu.memory_space<hbm>>
    tpu.enqueue_indirect_dma source(%dma_start3A_63 : memref<10000x32xf32, #tpu.memory_space<hbm>>) target(%arg10 : memref<128x32xf32, #tpu.memory_space<vmem>>) offsets(%dma_start3A_60 : memref<128xi32, #tpu.memory_space<vmem>>) semaphore(%arg14 : memref<!tpu.dma_semaphore, #tpu.memory_space<semaphore_mem>>)
    %scan3A = arith.constant 0 : i32
    %scan3A_64 = arith.constant 0 : i32
    %scan3A_65 = arith.constant 25 : i32
    %scan3A_66 = arith.addi %scan3A_64, %scan3A_65 : i32
    %scan3A_67 = arith.constant 1 : i32
    scf.for %scan3A_131 = %scan3A_64 to %scan3A_66 step %scan3A_67  : i32 {
      %mul3A_132 = arith.constant 3 : i32
      %mul3A_133 = arith.muli %scan3A_131, %mul3A_132 : i32
      %add3A_134 = arith.constant 2 : i32
      %add3A_135 = arith.addi %mul3A_133, %add3A_134 : i32
      %add3A_136 = arith.constant 0 : i32
      %add3A_137 = arith.addi %add3A_135, %add3A_136 : i32
      %dma_wait3A_138 = arith.constant 0 : i32
      %dma_wait3A_139 = tpu.memref_slice %arg8[%add3A_137, %dma_wait3A_138] : memref<79x128xi32, #tpu.memory_space<vmem>> -> memref<1x128xi32, #tpu.memory_space<vmem>>
      %dma_wait3A_140 = tpu.memref_squeeze %dma_wait3A_139 : memref<1x128xi32, #tpu.memory_space<vmem>> -> memref<128xi32, #tpu.memory_space<vmem>>
      %dma_wait3A_141 = arith.constant 0 : i32
      %dma_wait3A_142 = arith.constant 0 : i32
      %dma_wait3A_143 = tpu.memref_slice %arg2[%dma_wait3A_141, %dma_wait3A_142] : memref<10000x32xf32, #tpu.memory_space<hbm>> -> memref<10000x32xf32, #tpu.memory_space<hbm>>
      tpu.wait_indirect_dma semaphore(%arg16 : memref<!tpu.dma_semaphore, #tpu.memory_space<semaphore_mem>>) src(%dma_wait3A_143 : memref<10000x32xf32, #tpu.memory_space<hbm>>) dst(%arg12 : memref<128x32xf32, #tpu.memory_space<vmem>>)
      %dma_start3A_144 = arith.constant 0 : i32
      %dma_start3A_145 = tpu.memref_slice %arg9[%add3A_137, %dma_start3A_144] : memref<79x128xi32, #tpu.memory_space<vmem>> -> memref<1x128xi32, #tpu.memory_space<vmem>>
      %dma_start3A_146 = tpu.memref_squeeze %dma_start3A_145 : memref<1x128xi32, #tpu.memory_space<vmem>> -> memref<128xi32, #tpu.memory_space<vmem>>
      %dma_start3A_147 = arith.constant 0 : i32
      %dma_start3A_148 = arith.constant 0 : i32
      %dma_start3A_149 = tpu.memref_slice %arg13[%dma_start3A_147, %dma_start3A_148] : memref<10112x32xf32, #tpu.memory_space<vmem_shared>> -> memref<10112x32xf32, #tpu.memory_space<vmem_shared>>
      tpu.enqueue_indirect_dma source(%arg12 : memref<128x32xf32, #tpu.memory_space<vmem>>) target(%dma_start3A_149 : memref<10112x32xf32, #tpu.memory_space<vmem_shared>>) offsets(%dma_start3A_146 : memref<128xi32, #tpu.memory_space<vmem>>) semaphore(%arg19 : memref<!tpu.dma_semaphore, #tpu.memory_space<semaphore_mem>>) {add = true}
      %sub3A = arith.constant 1 : i32
      %sub3A_150 = arith.subi %add3A_137, %sub3A : i32
      %dma_wait3A_151 = arith.constant 0 : i32
      %dma_wait3A_152 = tpu.memref_slice %arg9[%sub3A_150, %dma_wait3A_151] : memref<79x128xi32, #tpu.memory_space<vmem>> -> memref<1x128xi32, #tpu.memory_space<vmem>>
      %dma_wait3A_153 = tpu.memref_squeeze %dma_wait3A_152 : memref<1x128xi32, #tpu.memory_space<vmem>> -> memref<128xi32, #tpu.memory_space<vmem>>
      %dma_wait3A_154 = arith.constant 0 : i32
      %dma_wait3A_155 = arith.constant 0 : i32
      %dma_wait3A_156 = tpu.memref_slice %arg13[%dma_wait3A_154, %dma_wait3A_155] : memref<10112x32xf32, #tpu.memory_space<vmem_shared>> -> memref<10112x32xf32, #tpu.memory_space<vmem_shared>>
      tpu.wait_indirect_dma semaphore(%arg18 : memref<!tpu.dma_semaphore, #tpu.memory_space<semaphore_mem>>) src(%arg11 : memref<128x32xf32, #tpu.memory_space<vmem>>) dst(%dma_wait3A_156 : memref<10112x32xf32, #tpu.memory_space<vmem_shared>>)
      %add3A_157 = arith.constant 2 : i32
      %add3A_158 = arith.addi %add3A_137, %add3A_157 : i32
      %dma_start3A_159 = arith.constant 0 : i32
      %dma_start3A_160 = tpu.memref_slice %arg8[%add3A_158, %dma_start3A_159] : memref<79x128xi32, #tpu.memory_space<vmem>> -> memref<1x128xi32, #tpu.memory_space<vmem>>
      %dma_start3A_161 = tpu.memref_squeeze %dma_start3A_160 : memref<1x128xi32, #tpu.memory_space<vmem>> -> memref<128xi32, #tpu.memory_space<vmem>>
      %dma_start3A_162 = arith.constant 0 : i32
      %dma_start3A_163 = arith.constant 0 : i32
      %dma_start3A_164 = tpu.memref_slice %arg2[%dma_start3A_162, %dma_start3A_163] : memref<10000x32xf32, #tpu.memory_space<hbm>> -> memref<10000x32xf32, #tpu.memory_space<hbm>>
      tpu.enqueue_indirect_dma source(%dma_start3A_164 : memref<10000x32xf32, #tpu.memory_space<hbm>>) target(%arg11 : memref<128x32xf32, #tpu.memory_space<vmem>>) offsets(%dma_start3A_161 : memref<128xi32, #tpu.memory_space<vmem>>) semaphore(%arg15 : memref<!tpu.dma_semaphore, #tpu.memory_space<semaphore_mem>>)
      %add3A_165 = arith.constant 1 : i32
      %add3A_166 = arith.addi %add3A_135, %add3A_165 : i32
      %dma_wait3A_167 = arith.constant 0 : i32
      %dma_wait3A_168 = tpu.memref_slice %arg8[%add3A_166, %dma_wait3A_167] : memref<79x128xi32, #tpu.memory_space<vmem>> -> memref<1x128xi32, #tpu.memory_space<vmem>>
      %dma_wait3A_169 = tpu.memref_squeeze %dma_wait3A_168 : memref<1x128xi32, #tpu.memory_space<vmem>> -> memref<128xi32, #tpu.memory_space<vmem>>
      %dma_wait3A_170 = arith.constant 0 : i32
      %dma_wait3A_171 = arith.constant 0 : i32
      %dma_wait3A_172 = tpu.memref_slice %arg2[%dma_wait3A_170, %dma_wait3A_171] : memref<10000x32xf32, #tpu.memory_space<hbm>> -> memref<10000x32xf32, #tpu.memory_space<hbm>>
      tpu.wait_indirect_dma semaphore(%arg14 : memref<!tpu.dma_semaphore, #tpu.memory_space<semaphore_mem>>) src(%dma_wait3A_172 : memref<10000x32xf32, #tpu.memory_space<hbm>>) dst(%arg10 : memref<128x32xf32, #tpu.memory_space<vmem>>)
      %dma_start3A_173 = arith.constant 0 : i32
      %dma_start3A_174 = tpu.memref_slice %arg9[%add3A_166, %dma_start3A_173] : memref<79x128xi32, #tpu.memory_space<vmem>> -> memref<1x128xi32, #tpu.memory_space<vmem>>
      %dma_start3A_175 = tpu.memref_squeeze %dma_start3A_174 : memref<1x128xi32, #tpu.memory_space<vmem>> -> memref<128xi32, #tpu.memory_space<vmem>>
      %dma_start3A_176 = arith.constant 0 : i32
      %dma_start3A_177 = arith.constant 0 : i32
      %dma_start3A_178 = tpu.memref_slice %arg13[%dma_start3A_176, %dma_start3A_177] : memref<10112x32xf32, #tpu.memory_space<vmem_shared>> -> memref<10112x32xf32, #tpu.memory_space<vmem_shared>>
      tpu.enqueue_indirect_dma source(%arg10 : memref<128x32xf32, #tpu.memory_space<vmem>>) target(%dma_start3A_178 : memref<10112x32xf32, #tpu.memory_space<vmem_shared>>) offsets(%dma_start3A_175 : memref<128xi32, #tpu.memory_space<vmem>>) semaphore(%arg17 : memref<!tpu.dma_semaphore, #tpu.memory_space<semaphore_mem>>) {add = true}
      %sub3A_179 = arith.constant 1 : i32
      %sub3A_180 = arith.subi %add3A_166, %sub3A_179 : i32
      %dma_wait3A_181 = arith.constant 0 : i32
      %dma_wait3A_182 = tpu.memref_slice %arg9[%sub3A_180, %dma_wait3A_181] : memref<79x128xi32, #tpu.memory_space<vmem>> -> memref<1x128xi32, #tpu.memory_space<vmem>>
      %dma_wait3A_183 = tpu.memref_squeeze %dma_wait3A_182 : memref<1x128xi32, #tpu.memory_space<vmem>> -> memref<128xi32, #tpu.memory_space<vmem>>
      %dma_wait3A_184 = arith.constant 0 : i32
      %dma_wait3A_185 = arith.constant 0 : i32
      %dma_wait3A_186 = tpu.memref_slice %arg13[%dma_wait3A_184, %dma_wait3A_185] : memref<10112x32xf32, #tpu.memory_space<vmem_shared>> -> memref<10112x32xf32, #tpu.memory_space<vmem_shared>>
      tpu.wait_indirect_dma semaphore(%arg19 : memref<!tpu.dma_semaphore, #tpu.memory_space<semaphore_mem>>) src(%arg12 : memref<128x32xf32, #tpu.memory_space<vmem>>) dst(%dma_wait3A_186 : memref<10112x32xf32, #tpu.memory_space<vmem_shared>>)
      %add3A_187 = arith.constant 2 : i32
      %add3A_188 = arith.addi %add3A_166, %add3A_187 : i32
      %dma_start3A_189 = arith.constant 0 : i32
      %dma_start3A_190 = tpu.memref_slice %arg8[%add3A_188, %dma_start3A_189] : memref<79x128xi32, #tpu.memory_space<vmem>> -> memref<1x128xi32, #tpu.memory_space<vmem>>
      %dma_start3A_191 = tpu.memref_squeeze %dma_start3A_190 : memref<1x128xi32, #tpu.memory_space<vmem>> -> memref<128xi32, #tpu.memory_space<vmem>>
      %dma_start3A_192 = arith.constant 0 : i32
      %dma_start3A_193 = arith.constant 0 : i32
      %dma_start3A_194 = tpu.memref_slice %arg2[%dma_start3A_192, %dma_start3A_193] : memref<10000x32xf32, #tpu.memory_space<hbm>> -> memref<10000x32xf32, #tpu.memory_space<hbm>>
      tpu.enqueue_indirect_dma source(%dma_start3A_194 : memref<10000x32xf32, #tpu.memory_space<hbm>>) target(%arg12 : memref<128x32xf32, #tpu.memory_space<vmem>>) offsets(%dma_start3A_191 : memref<128xi32, #tpu.memory_space<vmem>>) semaphore(%arg16 : memref<!tpu.dma_semaphore, #tpu.memory_space<semaphore_mem>>)
      %add3A_195 = arith.constant 2 : i32
      %add3A_196 = arith.addi %add3A_135, %add3A_195 : i32
      %dma_wait3A_197 = arith.constant 0 : i32
      %dma_wait3A_198 = tpu.memref_slice %arg8[%add3A_196, %dma_wait3A_197] : memref<79x128xi32, #tpu.memory_space<vmem>> -> memref<1x128xi32, #tpu.memory_space<vmem>>
      %dma_wait3A_199 = tpu.memref_squeeze %dma_wait3A_198 : memref<1x128xi32, #tpu.memory_space<vmem>> -> memref<128xi32, #tpu.memory_space<vmem>>
      %dma_wait3A_200 = arith.constant 0 : i32
      %dma_wait3A_201 = arith.constant 0 : i32
      %dma_wait3A_202 = tpu.memref_slice %arg2[%dma_wait3A_200, %dma_wait3A_201] : memref<10000x32xf32, #tpu.memory_space<hbm>> -> memref<10000x32xf32, #tpu.memory_space<hbm>>
      tpu.wait_indirect_dma semaphore(%arg15 : memref<!tpu.dma_semaphore, #tpu.memory_space<semaphore_mem>>) src(%dma_wait3A_202 : memref<10000x32xf32, #tpu.memory_space<hbm>>) dst(%arg11 : memref<128x32xf32, #tpu.memory_space<vmem>>)
      %dma_start3A_203 = arith.constant 0 : i32
      %dma_start3A_204 = tpu.memref_slice %arg9[%add3A_196, %dma_start3A_203] : memref<79x128xi32, #tpu.memory_space<vmem>> -> memref<1x128xi32, #tpu.memory_space<vmem>>
      %dma_start3A_205 = tpu.memref_squeeze %dma_start3A_204 : memref<1x128xi32, #tpu.memory_space<vmem>> -> memref<128xi32, #tpu.memory_space<vmem>>
      %dma_start3A_206 = arith.constant 0 : i32
      %dma_start3A_207 = arith.constant 0 : i32
      %dma_start3A_208 = tpu.memref_slice %arg13[%dma_start3A_206, %dma_start3A_207] : memref<10112x32xf32, #tpu.memory_space<vmem_shared>> -> memref<10112x32xf32, #tpu.memory_space<vmem_shared>>
      tpu.enqueue_indirect_dma source(%arg11 : memref<128x32xf32, #tpu.memory_space<vmem>>) target(%dma_start3A_208 : memref<10112x32xf32, #tpu.memory_space<vmem_shared>>) offsets(%dma_start3A_205 : memref<128xi32, #tpu.memory_space<vmem>>) semaphore(%arg18 : memref<!tpu.dma_semaphore, #tpu.memory_space<semaphore_mem>>) {add = true}
      %sub3A_209 = arith.constant 1 : i32
      %sub3A_210 = arith.subi %add3A_196, %sub3A_209 : i32
      %dma_wait3A_211 = arith.constant 0 : i32
      %dma_wait3A_212 = tpu.memref_slice %arg9[%sub3A_210, %dma_wait3A_211] : memref<79x128xi32, #tpu.memory_space<vmem>> -> memref<1x128xi32, #tpu.memory_space<vmem>>
      %dma_wait3A_213 = tpu.memref_squeeze %dma_wait3A_212 : memref<1x128xi32, #tpu.memory_space<vmem>> -> memref<128xi32, #tpu.memory_space<vmem>>
      %dma_wait3A_214 = arith.constant 0 : i32
      %dma_wait3A_215 = arith.constant 0 : i32
      %dma_wait3A_216 = tpu.memref_slice %arg13[%dma_wait3A_214, %dma_wait3A_215] : memref<10112x32xf32, #tpu.memory_space<vmem_shared>> -> memref<10112x32xf32, #tpu.memory_space<vmem_shared>>
      tpu.wait_indirect_dma semaphore(%arg17 : memref<!tpu.dma_semaphore, #tpu.memory_space<semaphore_mem>>) src(%arg10 : memref<128x32xf32, #tpu.memory_space<vmem>>) dst(%dma_wait3A_216 : memref<10112x32xf32, #tpu.memory_space<vmem_shared>>)
      %add3A_217 = arith.constant 2 : i32
      %add3A_218 = arith.addi %add3A_196, %add3A_217 : i32
      %dma_start3A_219 = arith.constant 0 : i32
      %dma_start3A_220 = tpu.memref_slice %arg8[%add3A_218, %dma_start3A_219] : memref<79x128xi32, #tpu.memory_space<vmem>> -> memref<1x128xi32, #tpu.memory_space<vmem>>
      %dma_start3A_221 = tpu.memref_squeeze %dma_start3A_220 : memref<1x128xi32, #tpu.memory_space<vmem>> -> memref<128xi32, #tpu.memory_space<vmem>>
      %dma_start3A_222 = arith.constant 0 : i32
      %dma_start3A_223 = arith.constant 0 : i32
      %dma_start3A_224 = tpu.memref_slice %arg2[%dma_start3A_222, %dma_start3A_223] : memref<10000x32xf32, #tpu.memory_space<hbm>> -> memref<10000x32xf32, #tpu.memory_space<hbm>>
      tpu.enqueue_indirect_dma source(%dma_start3A_224 : memref<10000x32xf32, #tpu.memory_space<hbm>>) target(%arg10 : memref<128x32xf32, #tpu.memory_space<vmem>>) offsets(%dma_start3A_221 : memref<128xi32, #tpu.memory_space<vmem>>) semaphore(%arg14 : memref<!tpu.dma_semaphore, #tpu.memory_space<semaphore_mem>>)
    }
    %scan3A_68 = arith.constant 25 : i32
    %dma_wait3A_69 = arith.constant 77 : i32
    %dma_wait3A_70 = arith.constant 0 : i32
    %dma_wait3A_71 = tpu.memref_slice %arg8[%dma_wait3A_69, %dma_wait3A_70] : memref<79x128xi32, #tpu.memory_space<vmem>> -> memref<1x128xi32, #tpu.memory_space<vmem>>
    %dma_wait3A_72 = tpu.memref_squeeze %dma_wait3A_71 : memref<1x128xi32, #tpu.memory_space<vmem>> -> memref<128xi32, #tpu.memory_space<vmem>>
    %dma_wait3A_73 = arith.constant 0 : i32
    %dma_wait3A_74 = arith.constant 0 : i32
    %dma_wait3A_75 = tpu.memref_slice %arg2[%dma_wait3A_73, %dma_wait3A_74] : memref<10000x32xf32, #tpu.memory_space<hbm>> -> memref<10000x32xf32, #tpu.memory_space<hbm>>
    tpu.wait_indirect_dma semaphore(%arg16 : memref<!tpu.dma_semaphore, #tpu.memory_space<semaphore_mem>>) src(%dma_wait3A_75 : memref<10000x32xf32, #tpu.memory_space<hbm>>) dst(%arg12 : memref<128x32xf32, #tpu.memory_space<vmem>>)
    %dma_start3A_76 = arith.constant 77 : i32
    %dma_start3A_77 = arith.constant 0 : i32
    %dma_start3A_78 = tpu.memref_slice %arg9[%dma_start3A_76, %dma_start3A_77] : memref<79x128xi32, #tpu.memory_space<vmem>> -> memref<1x128xi32, #tpu.memory_space<vmem>>
    %dma_start3A_79 = tpu.memref_squeeze %dma_start3A_78 : memref<1x128xi32, #tpu.memory_space<vmem>> -> memref<128xi32, #tpu.memory_space<vmem>>
    %dma_start3A_80 = arith.constant 0 : i32
    %dma_start3A_81 = arith.constant 0 : i32
    %dma_start3A_82 = tpu.memref_slice %arg13[%dma_start3A_80, %dma_start3A_81] : memref<10112x32xf32, #tpu.memory_space<vmem_shared>> -> memref<10112x32xf32, #tpu.memory_space<vmem_shared>>
    tpu.enqueue_indirect_dma source(%arg12 : memref<128x32xf32, #tpu.memory_space<vmem>>) target(%dma_start3A_82 : memref<10112x32xf32, #tpu.memory_space<vmem_shared>>) offsets(%dma_start3A_79 : memref<128xi32, #tpu.memory_space<vmem>>) semaphore(%arg19 : memref<!tpu.dma_semaphore, #tpu.memory_space<semaphore_mem>>) {add = true}
    %dma_wait3A_83 = arith.constant 76 : i32
    %dma_wait3A_84 = arith.constant 0 : i32
    %dma_wait3A_85 = tpu.memref_slice %arg9[%dma_wait3A_83, %dma_wait3A_84] : memref<79x128xi32, #tpu.memory_space<vmem>> -> memref<1x128xi32, #tpu.memory_space<vmem>>
    %dma_wait3A_86 = tpu.memref_squeeze %dma_wait3A_85 : memref<1x128xi32, #tpu.memory_space<vmem>> -> memref<128xi32, #tpu.memory_space<vmem>>
    %dma_wait3A_87 = arith.constant 0 : i32
    %dma_wait3A_88 = arith.constant 0 : i32
    %dma_wait3A_89 = tpu.memref_slice %arg13[%dma_wait3A_87, %dma_wait3A_88] : memref<10112x32xf32, #tpu.memory_space<vmem_shared>> -> memref<10112x32xf32, #tpu.memory_space<vmem_shared>>
    tpu.wait_indirect_dma semaphore(%arg18 : memref<!tpu.dma_semaphore, #tpu.memory_space<semaphore_mem>>) src(%arg11 : memref<128x32xf32, #tpu.memory_space<vmem>>) dst(%dma_wait3A_89 : memref<10112x32xf32, #tpu.memory_space<vmem_shared>>)
    %dma_wait3A_90 = arith.constant 78 : i32
    %dma_wait3A_91 = arith.constant 0 : i32
    %dma_wait3A_92 = tpu.memref_slice %arg8[%dma_wait3A_90, %dma_wait3A_91] : memref<79x128xi32, #tpu.memory_space<vmem>> -> memref<1x128xi32, #tpu.memory_space<vmem>>
    %dma_wait3A_93 = tpu.memref_squeeze %dma_wait3A_92 : memref<1x128xi32, #tpu.memory_space<vmem>> -> memref<128xi32, #tpu.memory_space<vmem>>
    %dma_wait3A_94 = arith.constant 0 : i32
    %dma_wait3A_95 = arith.constant 0 : i32
    %dma_wait3A_96 = tpu.memref_slice %arg2[%dma_wait3A_94, %dma_wait3A_95] : memref<10000x32xf32, #tpu.memory_space<hbm>> -> memref<10000x32xf32, #tpu.memory_space<hbm>>
    tpu.wait_indirect_dma semaphore(%arg14 : memref<!tpu.dma_semaphore, #tpu.memory_space<semaphore_mem>>) src(%dma_wait3A_96 : memref<10000x32xf32, #tpu.memory_space<hbm>>) dst(%arg10 : memref<128x32xf32, #tpu.memory_space<vmem>>)
    %dma_start3A_97 = arith.constant 78 : i32
    %dma_start3A_98 = arith.constant 0 : i32
    %dma_start3A_99 = tpu.memref_slice %arg9[%dma_start3A_97, %dma_start3A_98] : memref<79x128xi32, #tpu.memory_space<vmem>> -> memref<1x128xi32, #tpu.memory_space<vmem>>
    %dma_start3A_100 = tpu.memref_squeeze %dma_start3A_99 : memref<1x128xi32, #tpu.memory_space<vmem>> -> memref<128xi32, #tpu.memory_space<vmem>>
    %dma_start3A_101 = arith.constant 0 : i32
    %dma_start3A_102 = arith.constant 0 : i32
    %dma_start3A_103 = tpu.memref_slice %arg13[%dma_start3A_101, %dma_start3A_102] : memref<10112x32xf32, #tpu.memory_space<vmem_shared>> -> memref<10112x32xf32, #tpu.memory_space<vmem_shared>>
    tpu.enqueue_indirect_dma source(%arg10 : memref<128x32xf32, #tpu.memory_space<vmem>>) target(%dma_start3A_103 : memref<10112x32xf32, #tpu.memory_space<vmem_shared>>) offsets(%dma_start3A_100 : memref<128xi32, #tpu.memory_space<vmem>>) semaphore(%arg17 : memref<!tpu.dma_semaphore, #tpu.memory_space<semaphore_mem>>) {add = true}
    %dma_wait3A_104 = arith.constant 77 : i32
    %dma_wait3A_105 = arith.constant 0 : i32
    %dma_wait3A_106 = tpu.memref_slice %arg9[%dma_wait3A_104, %dma_wait3A_105] : memref<79x128xi32, #tpu.memory_space<vmem>> -> memref<1x128xi32, #tpu.memory_space<vmem>>
    %dma_wait3A_107 = tpu.memref_squeeze %dma_wait3A_106 : memref<1x128xi32, #tpu.memory_space<vmem>> -> memref<128xi32, #tpu.memory_space<vmem>>
    %dma_wait3A_108 = arith.constant 0 : i32
    %dma_wait3A_109 = arith.constant 0 : i32
    %dma_wait3A_110 = tpu.memref_slice %arg13[%dma_wait3A_108, %dma_wait3A_109] : memref<10112x32xf32, #tpu.memory_space<vmem_shared>> -> memref<10112x32xf32, #tpu.memory_space<vmem_shared>>
    tpu.wait_indirect_dma semaphore(%arg19 : memref<!tpu.dma_semaphore, #tpu.memory_space<semaphore_mem>>) src(%arg12 : memref<128x32xf32, #tpu.memory_space<vmem>>) dst(%dma_wait3A_110 : memref<10112x32xf32, #tpu.memory_space<vmem_shared>>)
    %dma_wait3A_111 = arith.constant 78 : i32
    %dma_wait3A_112 = arith.constant 0 : i32
    %dma_wait3A_113 = tpu.memref_slice %arg9[%dma_wait3A_111, %dma_wait3A_112] : memref<79x128xi32, #tpu.memory_space<vmem>> -> memref<1x128xi32, #tpu.memory_space<vmem>>
    %dma_wait3A_114 = tpu.memref_squeeze %dma_wait3A_113 : memref<1x128xi32, #tpu.memory_space<vmem>> -> memref<128xi32, #tpu.memory_space<vmem>>
    %dma_wait3A_115 = arith.constant 0 : i32
    %dma_wait3A_116 = arith.constant 0 : i32
    %dma_wait3A_117 = tpu.memref_slice %arg13[%dma_wait3A_115, %dma_wait3A_116] : memref<10112x32xf32, #tpu.memory_space<vmem_shared>> -> memref<10112x32xf32, #tpu.memory_space<vmem_shared>>
    tpu.wait_indirect_dma semaphore(%arg17 : memref<!tpu.dma_semaphore, #tpu.memory_space<semaphore_mem>>) src(%arg10 : memref<128x32xf32, #tpu.memory_space<vmem>>) dst(%dma_wait3A_117 : memref<10112x32xf32, #tpu.memory_space<vmem_shared>>)
    %barrier3A_118 = arith.constant 0 : index
    tpu.barrier barrier_id(%barrier3A_118)
    %mul3A_119 = arith.constant 632 : i32
    %mul3A_120 = arith.muli %arg1, %mul3A_119 : i32
    %eq3A_121 = arith.constant 0 : i32
    %eq3A_122 = arith.cmpi eq, %arg0, %eq3A_121 : i32
    %convert_element_type3A_123 = arith.extui %eq3A_122 : i1 to i32
    %cond3A_124 = arith.constant 0 : i32
    %cond3A_125 = arith.cmpi ne, %convert_element_type3A_123, %cond3A_124 : i32
    scf.if %cond3A_125 {
      "tpu.region"() ({
        %run_scoped3A = tpu.sem_alloc : memref<!tpu.dma_semaphore, #tpu.memory_space<semaphore_mem>>
        %dma_start3A_131 = arith.constant 0 : i32
        %dma_start3A_132 = tpu.memref_slice %arg6[%mul3A_120, %dma_start3A_131] : memref<10112x32xf32, #tpu.memory_space<hbm>> -> memref<632x32xf32, #tpu.memory_space<hbm>>
        %dma_start3A_133 = arith.constant 0 : i32
        %dma_start3A_134 = tpu.memref_slice %arg13[%mul3A_120, %dma_start3A_133] : memref<10112x32xf32, #tpu.memory_space<vmem_shared>> -> memref<632x32xf32, #tpu.memory_space<vmem_shared>>
        tpu.enqueue_dma source(%dma_start3A_134 : memref<632x32xf32, #tpu.memory_space<vmem_shared>>) target(%dma_start3A_132 : memref<632x32xf32, #tpu.memory_space<hbm>>) target_semaphore(%run_scoped3A : memref<!tpu.dma_semaphore, #tpu.memory_space<semaphore_mem>>)
        %dma_wait3A_135 = arith.constant 0 : i32
        %dma_wait3A_136 = tpu.memref_slice %arg6[%mul3A_120, %dma_wait3A_135] : memref<10112x32xf32, #tpu.memory_space<hbm>> -> memref<632x32xf32, #tpu.memory_space<hbm>>
        %dma_wait3A_137 = arith.constant 0 : i32
        %dma_wait3A_138 = tpu.memref_slice %arg13[%mul3A_120, %dma_wait3A_137] : memref<10112x32xf32, #tpu.memory_space<vmem_shared>> -> memref<632x32xf32, #tpu.memory_space<vmem_shared>>
        tpu.wait_dma2 semaphore(%run_scoped3A : memref<!tpu.dma_semaphore, #tpu.memory_space<semaphore_mem>>) src(%dma_wait3A_138 : memref<632x32xf32, #tpu.memory_space<vmem_shared>>) dst(%dma_wait3A_136 : memref<632x32xf32, #tpu.memory_space<hbm>>)
        tpu.yield
      }) : () -> ()
    } else {
    }
    %eq3A_126 = arith.constant 1 : i32
    %eq3A_127 = arith.cmpi eq, %arg0, %eq3A_126 : i32
    %convert_element_type3A_128 = arith.extui %eq3A_127 : i1 to i32
    %cond3A_129 = arith.constant 0 : i32
    %cond3A_130 = arith.cmpi ne, %convert_element_type3A_128, %cond3A_129 : i32
    scf.if %cond3A_130 {
      "tpu.region"() ({
        %run_scoped3A = tpu.sem_alloc : memref<!tpu.dma_semaphore, #tpu.memory_space<semaphore_mem>>
        %dma_start3A_131 = arith.constant 0 : i32
        %dma_start3A_132 = tpu.memref_slice %arg7[%mul3A_120, %dma_start3A_131] : memref<10112x32xf32, #tpu.memory_space<hbm>> -> memref<632x32xf32, #tpu.memory_space<hbm>>
        %dma_start3A_133 = arith.constant 0 : i32
        %dma_start3A_134 = tpu.memref_slice %arg13[%mul3A_120, %dma_start3A_133] : memref<10112x32xf32, #tpu.memory_space<vmem_shared>> -> memref<632x32xf32, #tpu.memory_space<vmem_shared>>
        tpu.enqueue_dma source(%dma_start3A_134 : memref<632x32xf32, #tpu.memory_space<vmem_shared>>) target(%dma_start3A_132 : memref<632x32xf32, #tpu.memory_space<hbm>>) target_semaphore(%run_scoped3A : memref<!tpu.dma_semaphore, #tpu.memory_space<semaphore_mem>>)
        %dma_wait3A_135 = arith.constant 0 : i32
        %dma_wait3A_136 = tpu.memref_slice %arg7[%mul3A_120, %dma_wait3A_135] : memref<10112x32xf32, #tpu.memory_space<hbm>> -> memref<632x32xf32, #tpu.memory_space<hbm>>
        %dma_wait3A_137 = arith.constant 0 : i32
        %dma_wait3A_138 = tpu.memref_slice %arg13[%mul3A_120, %dma_wait3A_137] : memref<10112x32xf32, #tpu.memory_space<vmem_shared>> -> memref<632x32xf32, #tpu.memory_space<vmem_shared>>
        tpu.wait_dma2 semaphore(%run_scoped3A : memref<!tpu.dma_semaphore, #tpu.memory_space<semaphore_mem>>) src(%dma_wait3A_138 : memref<632x32xf32, #tpu.memory_space<vmem_shared>>) dst(%dma_wait3A_136 : memref<632x32xf32, #tpu.memory_space<hbm>>)
        tpu.yield
      }) : () -> ()
    } else {
    }
    return
  }
}

#map = affine_map<(d0, d1) -> (0, 0)>
#map1 = affine_map<(d0, d1) -> (0, 0, 0)>
module attributes {stable_mosaic.version = 14 : i64} {
  func.func @body(%arg0: i32, %arg1: i32, %arg2: memref<10000x32xf32, #tpu.memory_space<hbm>>, %arg3: memref<32x79x128xi32, #tpu.memory_space<hbm>>, %arg4: memref<32x79x128xi32, #tpu.memory_space<hbm>>, %arg5: memref<10112x32xf32, #tpu.memory_space<hbm>>, %arg6: memref<10112x16xf32, #tpu.memory_space<hbm>>, %arg7: memref<128x16xf32, #tpu.memory_space<hbm>>, %arg8: memref<10112x32xf32, #tpu.memory_space<hbm>>, %arg9: memref<10112x32xf32, #tpu.memory_space<hbm>>, %arg10: memref<10112x16xf32, #tpu.memory_space<hbm>>, %arg11: memref<10112x16xf32, #tpu.memory_space<hbm>>, %arg12: memref<79x128xi32, #tpu.memory_space<vmem>>, %arg13: memref<79x128xi32, #tpu.memory_space<vmem>>, %arg14: memref<128x32xf32, #tpu.memory_space<vmem>>, %arg15: memref<128x32xf32, #tpu.memory_space<vmem>>, %arg16: memref<128x32xf32, #tpu.memory_space<vmem>>, %arg17: memref<10112x32xf32, #tpu.memory_space<vmem_shared>>, %arg18: memref<!tpu.dma_semaphore, #tpu.memory_space<semaphore_mem>>, %arg19: memref<!tpu.dma_semaphore, #tpu.memory_space<semaphore_mem>>, %arg20: memref<!tpu.dma_semaphore, #tpu.memory_space<semaphore_mem>>, %arg21: memref<!tpu.dma_semaphore, #tpu.memory_space<semaphore_mem>>, %arg22: memref<!tpu.dma_semaphore, #tpu.memory_space<semaphore_mem>>, %arg23: memref<!tpu.dma_semaphore, #tpu.memory_space<semaphore_mem>>, %arg24: memref<128x16xf32, #tpu.memory_space<vmem>>, %arg25: memref<10112x16xf32, #tpu.memory_space<vmem_shared>>) attributes {dimension_semantics = [#tpu.dimension_semantics<core_parallel>, #tpu.dimension_semantics<subcore_parallel>], iteration_bounds = array<i64: 2, 16>, scalar_prefetch = 0 : i64, scratch_operands = 14 : i64, tpu.core_type = #tpu.core_type<sc_vector_subcore>, window_params = [{transform_indices = #map}, {transform_indices = #map1}, {transform_indices = #map1}, {transform_indices = #map}, {transform_indices = #map}, {transform_indices = #map}, {transform_indices = #map}, {transform_indices = #map}, {transform_indices = #map}, {transform_indices = #map}]} {
    %mul3A = arith.constant 2 : i32
    %mul3A_0 = arith.muli %arg1, %mul3A : i32
    %add3A = arith.addi %mul3A_0, %arg0 : i32
    %eq3A = arith.constant 0 : i32
    %eq3A_1 = arith.cmpi eq, %arg1, %eq3A : i32
    %convert_element_type3A = arith.extui %eq3A_1 : i1 to i32
    %cond3A = arith.constant 0 : i32
    %cond3A_2 = arith.cmpi ne, %convert_element_type3A, %cond3A : i32
    scf.if %cond3A_2 {
      "tpu.region"() ({
        %run_scoped3A = tpu.sem_alloc : memref<!tpu.dma_semaphore, #tpu.memory_space<semaphore_mem>>
        tpu.enqueue_dma source(%arg5 : memref<10112x32xf32, #tpu.memory_space<hbm>>) target(%arg17 : memref<10112x32xf32, #tpu.memory_space<vmem_shared>>) target_semaphore(%run_scoped3A : memref<!tpu.dma_semaphore, #tpu.memory_space<semaphore_mem>>)
        tpu.wait_dma2 semaphore(%run_scoped3A : memref<!tpu.dma_semaphore, #tpu.memory_space<semaphore_mem>>) src(%arg5 : memref<10112x32xf32, #tpu.memory_space<hbm>>) dst(%arg17 : memref<10112x32xf32, #tpu.memory_space<vmem_shared>>)
        tpu.yield
      }) : () -> ()
      "tpu.region"() ({
        %run_scoped3A = tpu.sem_alloc : memref<!tpu.dma_semaphore, #tpu.memory_space<semaphore_mem>>
        tpu.enqueue_dma source(%arg6 : memref<10112x16xf32, #tpu.memory_space<hbm>>) target(%arg25 : memref<10112x16xf32, #tpu.memory_space<vmem_shared>>) target_semaphore(%run_scoped3A : memref<!tpu.dma_semaphore, #tpu.memory_space<semaphore_mem>>)
        tpu.wait_dma2 semaphore(%run_scoped3A : memref<!tpu.dma_semaphore, #tpu.memory_space<semaphore_mem>>) src(%arg6 : memref<10112x16xf32, #tpu.memory_space<hbm>>) dst(%arg25 : memref<10112x16xf32, #tpu.memory_space<vmem_shared>>)
        tpu.yield
      }) : () -> ()
    } else {
    }
    "tpu.region"() ({
      %run_scoped3A = tpu.sem_alloc : memref<!tpu.dma_semaphore, #tpu.memory_space<semaphore_mem>>
      %dma_start3A_187 = arith.constant 0 : i32
      %dma_start3A_188 = arith.constant 0 : i32
      %dma_start3A_189 = tpu.memref_slice %arg3[%add3A, %dma_start3A_187, %dma_start3A_188] : memref<32x79x128xi32, #tpu.memory_space<hbm>> -> memref<1x79x128xi32, #tpu.memory_space<hbm>>
      %dma_start3A_190 = tpu.memref_squeeze %dma_start3A_189 : memref<1x79x128xi32, #tpu.memory_space<hbm>> -> memref<79x128xi32, #tpu.memory_space<hbm>>
      %dma_start3A_191 = arith.constant 0 : i32
      %dma_start3A_192 = arith.constant 0 : i32
      %dma_start3A_193 = tpu.memref_slice %arg3[%add3A, %dma_start3A_191, %dma_start3A_192] : memref<32x79x128xi32, #tpu.memory_space<hbm>> -> memref<1x79x128xi32, #tpu.memory_space<hbm>>
      %dma_start3A_194 = tpu.memref_squeeze %dma_start3A_193 : memref<1x79x128xi32, #tpu.memory_space<hbm>> -> memref<79x128xi32, #tpu.memory_space<hbm>>
      tpu.enqueue_dma source(%dma_start3A_194 : memref<79x128xi32, #tpu.memory_space<hbm>>) target(%arg12 : memref<79x128xi32, #tpu.memory_space<vmem>>) target_semaphore(%run_scoped3A : memref<!tpu.dma_semaphore, #tpu.memory_space<semaphore_mem>>)
      %dma_wait3A_195 = arith.constant 0 : i32
      %dma_wait3A_196 = arith.constant 0 : i32
      %dma_wait3A_197 = tpu.memref_slice %arg3[%add3A, %dma_wait3A_195, %dma_wait3A_196] : memref<32x79x128xi32, #tpu.memory_space<hbm>> -> memref<1x79x128xi32, #tpu.memory_space<hbm>>
      %dma_wait3A_198 = tpu.memref_squeeze %dma_wait3A_197 : memref<1x79x128xi32, #tpu.memory_space<hbm>> -> memref<79x128xi32, #tpu.memory_space<hbm>>
      %dma_wait3A_199 = arith.constant 0 : i32
      %dma_wait3A_200 = arith.constant 0 : i32
      %dma_wait3A_201 = tpu.memref_slice %arg3[%add3A, %dma_wait3A_199, %dma_wait3A_200] : memref<32x79x128xi32, #tpu.memory_space<hbm>> -> memref<1x79x128xi32, #tpu.memory_space<hbm>>
      %dma_wait3A_202 = tpu.memref_squeeze %dma_wait3A_201 : memref<1x79x128xi32, #tpu.memory_space<hbm>> -> memref<79x128xi32, #tpu.memory_space<hbm>>
      tpu.wait_dma2 semaphore(%run_scoped3A : memref<!tpu.dma_semaphore, #tpu.memory_space<semaphore_mem>>) src(%dma_wait3A_202 : memref<79x128xi32, #tpu.memory_space<hbm>>) dst(%arg12 : memref<79x128xi32, #tpu.memory_space<vmem>>)
      tpu.yield
    }) : () -> ()
    "tpu.region"() ({
      %run_scoped3A = tpu.sem_alloc : memref<!tpu.dma_semaphore, #tpu.memory_space<semaphore_mem>>
      %dma_start3A_187 = arith.constant 0 : i32
      %dma_start3A_188 = arith.constant 0 : i32
      %dma_start3A_189 = tpu.memref_slice %arg4[%add3A, %dma_start3A_187, %dma_start3A_188] : memref<32x79x128xi32, #tpu.memory_space<hbm>> -> memref<1x79x128xi32, #tpu.memory_space<hbm>>
      %dma_start3A_190 = tpu.memref_squeeze %dma_start3A_189 : memref<1x79x128xi32, #tpu.memory_space<hbm>> -> memref<79x128xi32, #tpu.memory_space<hbm>>
      %dma_start3A_191 = arith.constant 0 : i32
      %dma_start3A_192 = arith.constant 0 : i32
      %dma_start3A_193 = tpu.memref_slice %arg4[%add3A, %dma_start3A_191, %dma_start3A_192] : memref<32x79x128xi32, #tpu.memory_space<hbm>> -> memref<1x79x128xi32, #tpu.memory_space<hbm>>
      %dma_start3A_194 = tpu.memref_squeeze %dma_start3A_193 : memref<1x79x128xi32, #tpu.memory_space<hbm>> -> memref<79x128xi32, #tpu.memory_space<hbm>>
      tpu.enqueue_dma source(%dma_start3A_194 : memref<79x128xi32, #tpu.memory_space<hbm>>) target(%arg13 : memref<79x128xi32, #tpu.memory_space<vmem>>) target_semaphore(%run_scoped3A : memref<!tpu.dma_semaphore, #tpu.memory_space<semaphore_mem>>)
      %dma_wait3A_195 = arith.constant 0 : i32
      %dma_wait3A_196 = arith.constant 0 : i32
      %dma_wait3A_197 = tpu.memref_slice %arg4[%add3A, %dma_wait3A_195, %dma_wait3A_196] : memref<32x79x128xi32, #tpu.memory_space<hbm>> -> memref<1x79x128xi32, #tpu.memory_space<hbm>>
      %dma_wait3A_198 = tpu.memref_squeeze %dma_wait3A_197 : memref<1x79x128xi32, #tpu.memory_space<hbm>> -> memref<79x128xi32, #tpu.memory_space<hbm>>
      %dma_wait3A_199 = arith.constant 0 : i32
      %dma_wait3A_200 = arith.constant 0 : i32
      %dma_wait3A_201 = tpu.memref_slice %arg4[%add3A, %dma_wait3A_199, %dma_wait3A_200] : memref<32x79x128xi32, #tpu.memory_space<hbm>> -> memref<1x79x128xi32, #tpu.memory_space<hbm>>
      %dma_wait3A_202 = tpu.memref_squeeze %dma_wait3A_201 : memref<1x79x128xi32, #tpu.memory_space<hbm>> -> memref<79x128xi32, #tpu.memory_space<hbm>>
      tpu.wait_dma2 semaphore(%run_scoped3A : memref<!tpu.dma_semaphore, #tpu.memory_space<semaphore_mem>>) src(%dma_wait3A_202 : memref<79x128xi32, #tpu.memory_space<hbm>>) dst(%arg13 : memref<79x128xi32, #tpu.memory_space<vmem>>)
      tpu.yield
    }) : () -> ()
    "tpu.region"() ({
      %run_scoped3A = tpu.sem_alloc : memref<!tpu.dma_semaphore, #tpu.memory_space<semaphore_mem>>
      tpu.enqueue_dma source(%arg7 : memref<128x16xf32, #tpu.memory_space<hbm>>) target(%arg24 : memref<128x16xf32, #tpu.memory_space<vmem>>) target_semaphore(%run_scoped3A : memref<!tpu.dma_semaphore, #tpu.memory_space<semaphore_mem>>)
      tpu.wait_dma2 semaphore(%run_scoped3A : memref<!tpu.dma_semaphore, #tpu.memory_space<semaphore_mem>>) src(%arg7 : memref<128x16xf32, #tpu.memory_space<hbm>>) dst(%arg24 : memref<128x16xf32, #tpu.memory_space<vmem>>)
      tpu.yield
    }) : () -> ()
    %barrier3A = arith.constant 0 : index
    tpu.barrier barrier_id(%barrier3A)
    %dma_start3A = arith.constant 0 : i32
    %dma_start3A_3 = arith.constant 0 : i32
    %dma_start3A_4 = tpu.memref_slice %arg12[%dma_start3A, %dma_start3A_3] : memref<79x128xi32, #tpu.memory_space<vmem>> -> memref<1x128xi32, #tpu.memory_space<vmem>>
    %dma_start3A_5 = tpu.memref_squeeze %dma_start3A_4 : memref<1x128xi32, #tpu.memory_space<vmem>> -> memref<128xi32, #tpu.memory_space<vmem>>
    %dma_start3A_6 = arith.constant 0 : i32
    %dma_start3A_7 = arith.constant 0 : i32
    %dma_start3A_8 = tpu.memref_slice %arg2[%dma_start3A_6, %dma_start3A_7] : memref<10000x32xf32, #tpu.memory_space<hbm>> -> memref<10000x32xf32, #tpu.memory_space<hbm>>
    tpu.enqueue_indirect_dma source(%dma_start3A_8 : memref<10000x32xf32, #tpu.memory_space<hbm>>) target(%arg14 : memref<128x32xf32, #tpu.memory_space<vmem>>) offsets(%dma_start3A_5 : memref<128xi32, #tpu.memory_space<vmem>>) semaphore(%arg18 : memref<!tpu.dma_semaphore, #tpu.memory_space<semaphore_mem>>)
    %dma_start3A_9 = arith.constant 1 : i32
    %dma_start3A_10 = arith.constant 0 : i32
    %dma_start3A_11 = tpu.memref_slice %arg12[%dma_start3A_9, %dma_start3A_10] : memref<79x128xi32, #tpu.memory_space<vmem>> -> memref<1x128xi32, #tpu.memory_space<vmem>>
    %dma_start3A_12 = tpu.memref_squeeze %dma_start3A_11 : memref<1x128xi32, #tpu.memory_space<vmem>> -> memref<128xi32, #tpu.memory_space<vmem>>
    %dma_start3A_13 = arith.constant 0 : i32
    %dma_start3A_14 = arith.constant 0 : i32
    %dma_start3A_15 = tpu.memref_slice %arg2[%dma_start3A_13, %dma_start3A_14] : memref<10000x32xf32, #tpu.memory_space<hbm>> -> memref<10000x32xf32, #tpu.memory_space<hbm>>
    tpu.enqueue_indirect_dma source(%dma_start3A_15 : memref<10000x32xf32, #tpu.memory_space<hbm>>) target(%arg15 : memref<128x32xf32, #tpu.memory_space<vmem>>) offsets(%dma_start3A_12 : memref<128xi32, #tpu.memory_space<vmem>>) semaphore(%arg19 : memref<!tpu.dma_semaphore, #tpu.memory_space<semaphore_mem>>)
    %dma_wait3A = arith.constant 0 : i32
    %dma_wait3A_16 = arith.constant 0 : i32
    %dma_wait3A_17 = tpu.memref_slice %arg12[%dma_wait3A, %dma_wait3A_16] : memref<79x128xi32, #tpu.memory_space<vmem>> -> memref<1x128xi32, #tpu.memory_space<vmem>>
    %dma_wait3A_18 = tpu.memref_squeeze %dma_wait3A_17 : memref<1x128xi32, #tpu.memory_space<vmem>> -> memref<128xi32, #tpu.memory_space<vmem>>
    %dma_wait3A_19 = arith.constant 0 : i32
    %dma_wait3A_20 = arith.constant 0 : i32
    %dma_wait3A_21 = tpu.memref_slice %arg2[%dma_wait3A_19, %dma_wait3A_20] : memref<10000x32xf32, #tpu.memory_space<hbm>> -> memref<10000x32xf32, #tpu.memory_space<hbm>>
    tpu.wait_indirect_dma semaphore(%arg18 : memref<!tpu.dma_semaphore, #tpu.memory_space<semaphore_mem>>) src(%dma_wait3A_21 : memref<10000x32xf32, #tpu.memory_space<hbm>>) dst(%arg14 : memref<128x32xf32, #tpu.memory_space<vmem>>)
    %dma_start3A_22 = arith.constant 0 : i32
    %dma_start3A_23 = arith.constant 0 : i32
    %dma_start3A_24 = tpu.memref_slice %arg13[%dma_start3A_22, %dma_start3A_23] : memref<79x128xi32, #tpu.memory_space<vmem>> -> memref<1x128xi32, #tpu.memory_space<vmem>>
    %dma_start3A_25 = tpu.memref_squeeze %dma_start3A_24 : memref<1x128xi32, #tpu.memory_space<vmem>> -> memref<128xi32, #tpu.memory_space<vmem>>
    %dma_start3A_26 = arith.constant 0 : i32
    %dma_start3A_27 = arith.constant 0 : i32
    %dma_start3A_28 = tpu.memref_slice %arg17[%dma_start3A_26, %dma_start3A_27] : memref<10112x32xf32, #tpu.memory_space<vmem_shared>> -> memref<10112x32xf32, #tpu.memory_space<vmem_shared>>
    tpu.enqueue_indirect_dma source(%arg14 : memref<128x32xf32, #tpu.memory_space<vmem>>) target(%dma_start3A_28 : memref<10112x32xf32, #tpu.memory_space<vmem_shared>>) offsets(%dma_start3A_25 : memref<128xi32, #tpu.memory_space<vmem>>) semaphore(%arg21 : memref<!tpu.dma_semaphore, #tpu.memory_space<semaphore_mem>>) {add = true}
    %dma_start3A_29 = arith.constant 0 : i32
    %dma_start3A_30 = arith.constant 0 : i32
    %dma_start3A_31 = tpu.memref_slice %arg13[%dma_start3A_29, %dma_start3A_30] : memref<79x128xi32, #tpu.memory_space<vmem>> -> memref<1x128xi32, #tpu.memory_space<vmem>>
    %dma_start3A_32 = tpu.memref_squeeze %dma_start3A_31 : memref<1x128xi32, #tpu.memory_space<vmem>> -> memref<128xi32, #tpu.memory_space<vmem>>
    %dma_start3A_33 = arith.constant 0 : i32
    %dma_start3A_34 = arith.constant 0 : i32
    %dma_start3A_35 = tpu.memref_slice %arg25[%dma_start3A_33, %dma_start3A_34] : memref<10112x16xf32, #tpu.memory_space<vmem_shared>> -> memref<10112x16xf32, #tpu.memory_space<vmem_shared>>
    tpu.enqueue_indirect_dma source(%arg24 : memref<128x16xf32, #tpu.memory_space<vmem>>) target(%dma_start3A_35 : memref<10112x16xf32, #tpu.memory_space<vmem_shared>>) offsets(%dma_start3A_32 : memref<128xi32, #tpu.memory_space<vmem>>) semaphore(%arg21 : memref<!tpu.dma_semaphore, #tpu.memory_space<semaphore_mem>>) {add = true}
    %dma_start3A_36 = arith.constant 2 : i32
    %dma_start3A_37 = arith.constant 0 : i32
    %dma_start3A_38 = tpu.memref_slice %arg12[%dma_start3A_36, %dma_start3A_37] : memref<79x128xi32, #tpu.memory_space<vmem>> -> memref<1x128xi32, #tpu.memory_space<vmem>>
    %dma_start3A_39 = tpu.memref_squeeze %dma_start3A_38 : memref<1x128xi32, #tpu.memory_space<vmem>> -> memref<128xi32, #tpu.memory_space<vmem>>
    %dma_start3A_40 = arith.constant 0 : i32
    %dma_start3A_41 = arith.constant 0 : i32
    %dma_start3A_42 = tpu.memref_slice %arg2[%dma_start3A_40, %dma_start3A_41] : memref<10000x32xf32, #tpu.memory_space<hbm>> -> memref<10000x32xf32, #tpu.memory_space<hbm>>
    tpu.enqueue_indirect_dma source(%dma_start3A_42 : memref<10000x32xf32, #tpu.memory_space<hbm>>) target(%arg16 : memref<128x32xf32, #tpu.memory_space<vmem>>) offsets(%dma_start3A_39 : memref<128xi32, #tpu.memory_space<vmem>>) semaphore(%arg20 : memref<!tpu.dma_semaphore, #tpu.memory_space<semaphore_mem>>)
    %dma_wait3A_43 = arith.constant 1 : i32
    %dma_wait3A_44 = arith.constant 0 : i32
    %dma_wait3A_45 = tpu.memref_slice %arg12[%dma_wait3A_43, %dma_wait3A_44] : memref<79x128xi32, #tpu.memory_space<vmem>> -> memref<1x128xi32, #tpu.memory_space<vmem>>
    %dma_wait3A_46 = tpu.memref_squeeze %dma_wait3A_45 : memref<1x128xi32, #tpu.memory_space<vmem>> -> memref<128xi32, #tpu.memory_space<vmem>>
    %dma_wait3A_47 = arith.constant 0 : i32
    %dma_wait3A_48 = arith.constant 0 : i32
    %dma_wait3A_49 = tpu.memref_slice %arg2[%dma_wait3A_47, %dma_wait3A_48] : memref<10000x32xf32, #tpu.memory_space<hbm>> -> memref<10000x32xf32, #tpu.memory_space<hbm>>
    tpu.wait_indirect_dma semaphore(%arg19 : memref<!tpu.dma_semaphore, #tpu.memory_space<semaphore_mem>>) src(%dma_wait3A_49 : memref<10000x32xf32, #tpu.memory_space<hbm>>) dst(%arg15 : memref<128x32xf32, #tpu.memory_space<vmem>>)
    %dma_start3A_50 = arith.constant 1 : i32
    %dma_start3A_51 = arith.constant 0 : i32
    %dma_start3A_52 = tpu.memref_slice %arg13[%dma_start3A_50, %dma_start3A_51] : memref<79x128xi32, #tpu.memory_space<vmem>> -> memref<1x128xi32, #tpu.memory_space<vmem>>
    %dma_start3A_53 = tpu.memref_squeeze %dma_start3A_52 : memref<1x128xi32, #tpu.memory_space<vmem>> -> memref<128xi32, #tpu.memory_space<vmem>>
    %dma_start3A_54 = arith.constant 0 : i32
    %dma_start3A_55 = arith.constant 0 : i32
    %dma_start3A_56 = tpu.memref_slice %arg17[%dma_start3A_54, %dma_start3A_55] : memref<10112x32xf32, #tpu.memory_space<vmem_shared>> -> memref<10112x32xf32, #tpu.memory_space<vmem_shared>>
    tpu.enqueue_indirect_dma source(%arg15 : memref<128x32xf32, #tpu.memory_space<vmem>>) target(%dma_start3A_56 : memref<10112x32xf32, #tpu.memory_space<vmem_shared>>) offsets(%dma_start3A_53 : memref<128xi32, #tpu.memory_space<vmem>>) semaphore(%arg22 : memref<!tpu.dma_semaphore, #tpu.memory_space<semaphore_mem>>) {add = true}
    %dma_start3A_57 = arith.constant 1 : i32
    %dma_start3A_58 = arith.constant 0 : i32
    %dma_start3A_59 = tpu.memref_slice %arg13[%dma_start3A_57, %dma_start3A_58] : memref<79x128xi32, #tpu.memory_space<vmem>> -> memref<1x128xi32, #tpu.memory_space<vmem>>
    %dma_start3A_60 = tpu.memref_squeeze %dma_start3A_59 : memref<1x128xi32, #tpu.memory_space<vmem>> -> memref<128xi32, #tpu.memory_space<vmem>>
    %dma_start3A_61 = arith.constant 0 : i32
    %dma_start3A_62 = arith.constant 0 : i32
    %dma_start3A_63 = tpu.memref_slice %arg25[%dma_start3A_61, %dma_start3A_62] : memref<10112x16xf32, #tpu.memory_space<vmem_shared>> -> memref<10112x16xf32, #tpu.memory_space<vmem_shared>>
    tpu.enqueue_indirect_dma source(%arg24 : memref<128x16xf32, #tpu.memory_space<vmem>>) target(%dma_start3A_63 : memref<10112x16xf32, #tpu.memory_space<vmem_shared>>) offsets(%dma_start3A_60 : memref<128xi32, #tpu.memory_space<vmem>>) semaphore(%arg22 : memref<!tpu.dma_semaphore, #tpu.memory_space<semaphore_mem>>) {add = true}
    %dma_wait3A_64 = arith.constant 0 : i32
    %dma_wait3A_65 = arith.constant 0 : i32
    %dma_wait3A_66 = tpu.memref_slice %arg13[%dma_wait3A_64, %dma_wait3A_65] : memref<79x128xi32, #tpu.memory_space<vmem>> -> memref<1x128xi32, #tpu.memory_space<vmem>>
    %dma_wait3A_67 = tpu.memref_squeeze %dma_wait3A_66 : memref<1x128xi32, #tpu.memory_space<vmem>> -> memref<128xi32, #tpu.memory_space<vmem>>
    %dma_wait3A_68 = arith.constant 0 : i32
    %dma_wait3A_69 = arith.constant 0 : i32
    %dma_wait3A_70 = tpu.memref_slice %arg17[%dma_wait3A_68, %dma_wait3A_69] : memref<10112x32xf32, #tpu.memory_space<vmem_shared>> -> memref<10112x32xf32, #tpu.memory_space<vmem_shared>>
    tpu.wait_indirect_dma semaphore(%arg21 : memref<!tpu.dma_semaphore, #tpu.memory_space<semaphore_mem>>) src(%arg14 : memref<128x32xf32, #tpu.memory_space<vmem>>) dst(%dma_wait3A_70 : memref<10112x32xf32, #tpu.memory_space<vmem_shared>>)
    %dma_wait3A_71 = arith.constant 0 : i32
    %dma_wait3A_72 = arith.constant 0 : i32
    %dma_wait3A_73 = tpu.memref_slice %arg13[%dma_wait3A_71, %dma_wait3A_72] : memref<79x128xi32, #tpu.memory_space<vmem>> -> memref<1x128xi32, #tpu.memory_space<vmem>>
    %dma_wait3A_74 = tpu.memref_squeeze %dma_wait3A_73 : memref<1x128xi32, #tpu.memory_space<vmem>> -> memref<128xi32, #tpu.memory_space<vmem>>
    %dma_wait3A_75 = arith.constant 0 : i32
    %dma_wait3A_76 = arith.constant 0 : i32
    %dma_wait3A_77 = tpu.memref_slice %arg25[%dma_wait3A_75, %dma_wait3A_76] : memref<10112x16xf32, #tpu.memory_space<vmem_shared>> -> memref<10112x16xf32, #tpu.memory_space<vmem_shared>>
    tpu.wait_indirect_dma semaphore(%arg21 : memref<!tpu.dma_semaphore, #tpu.memory_space<semaphore_mem>>) src(%arg24 : memref<128x16xf32, #tpu.memory_space<vmem>>) dst(%dma_wait3A_77 : memref<10112x16xf32, #tpu.memory_space<vmem_shared>>)
    %dma_start3A_78 = arith.constant 3 : i32
    %dma_start3A_79 = arith.constant 0 : i32
    %dma_start3A_80 = tpu.memref_slice %arg12[%dma_start3A_78, %dma_start3A_79] : memref<79x128xi32, #tpu.memory_space<vmem>> -> memref<1x128xi32, #tpu.memory_space<vmem>>
    %dma_start3A_81 = tpu.memref_squeeze %dma_start3A_80 : memref<1x128xi32, #tpu.memory_space<vmem>> -> memref<128xi32, #tpu.memory_space<vmem>>
    %dma_start3A_82 = arith.constant 0 : i32
    %dma_start3A_83 = arith.constant 0 : i32
    %dma_start3A_84 = tpu.memref_slice %arg2[%dma_start3A_82, %dma_start3A_83] : memref<10000x32xf32, #tpu.memory_space<hbm>> -> memref<10000x32xf32, #tpu.memory_space<hbm>>
    tpu.enqueue_indirect_dma source(%dma_start3A_84 : memref<10000x32xf32, #tpu.memory_space<hbm>>) target(%arg14 : memref<128x32xf32, #tpu.memory_space<vmem>>) offsets(%dma_start3A_81 : memref<128xi32, #tpu.memory_space<vmem>>) semaphore(%arg18 : memref<!tpu.dma_semaphore, #tpu.memory_space<semaphore_mem>>)
    %scan3A = arith.constant 0 : i32
    %scan3A_85 = arith.constant 0 : i32
    %scan3A_86 = arith.constant 25 : i32
    %scan3A_87 = arith.addi %scan3A_85, %scan3A_86 : i32
    %scan3A_88 = arith.constant 1 : i32
    scf.for %scan3A_187 = %scan3A_85 to %scan3A_87 step %scan3A_88  : i32 {
      %mul3A_188 = arith.constant 3 : i32
      %mul3A_189 = arith.muli %scan3A_187, %mul3A_188 : i32
      %add3A_190 = arith.constant 2 : i32
      %add3A_191 = arith.addi %mul3A_189, %add3A_190 : i32
      %add3A_192 = arith.constant 0 : i32
      %add3A_193 = arith.addi %add3A_191, %add3A_192 : i32
      %dma_wait3A_194 = arith.constant 0 : i32
      %dma_wait3A_195 = tpu.memref_slice %arg12[%add3A_193, %dma_wait3A_194] : memref<79x128xi32, #tpu.memory_space<vmem>> -> memref<1x128xi32, #tpu.memory_space<vmem>>
      %dma_wait3A_196 = tpu.memref_squeeze %dma_wait3A_195 : memref<1x128xi32, #tpu.memory_space<vmem>> -> memref<128xi32, #tpu.memory_space<vmem>>
      %dma_wait3A_197 = arith.constant 0 : i32
      %dma_wait3A_198 = arith.constant 0 : i32
      %dma_wait3A_199 = tpu.memref_slice %arg2[%dma_wait3A_197, %dma_wait3A_198] : memref<10000x32xf32, #tpu.memory_space<hbm>> -> memref<10000x32xf32, #tpu.memory_space<hbm>>
      tpu.wait_indirect_dma semaphore(%arg20 : memref<!tpu.dma_semaphore, #tpu.memory_space<semaphore_mem>>) src(%dma_wait3A_199 : memref<10000x32xf32, #tpu.memory_space<hbm>>) dst(%arg16 : memref<128x32xf32, #tpu.memory_space<vmem>>)
      %dma_start3A_200 = arith.constant 0 : i32
      %dma_start3A_201 = tpu.memref_slice %arg13[%add3A_193, %dma_start3A_200] : memref<79x128xi32, #tpu.memory_space<vmem>> -> memref<1x128xi32, #tpu.memory_space<vmem>>
      %dma_start3A_202 = tpu.memref_squeeze %dma_start3A_201 : memref<1x128xi32, #tpu.memory_space<vmem>> -> memref<128xi32, #tpu.memory_space<vmem>>
      %dma_start3A_203 = arith.constant 0 : i32
      %dma_start3A_204 = arith.constant 0 : i32
      %dma_start3A_205 = tpu.memref_slice %arg17[%dma_start3A_203, %dma_start3A_204] : memref<10112x32xf32, #tpu.memory_space<vmem_shared>> -> memref<10112x32xf32, #tpu.memory_space<vmem_shared>>
      tpu.enqueue_indirect_dma source(%arg16 : memref<128x32xf32, #tpu.memory_space<vmem>>) target(%dma_start3A_205 : memref<10112x32xf32, #tpu.memory_space<vmem_shared>>) offsets(%dma_start3A_202 : memref<128xi32, #tpu.memory_space<vmem>>) semaphore(%arg23 : memref<!tpu.dma_semaphore, #tpu.memory_space<semaphore_mem>>) {add = true}
      %dma_start3A_206 = arith.constant 0 : i32
      %dma_start3A_207 = tpu.memref_slice %arg13[%add3A_193, %dma_start3A_206] : memref<79x128xi32, #tpu.memory_space<vmem>> -> memref<1x128xi32, #tpu.memory_space<vmem>>
      %dma_start3A_208 = tpu.memref_squeeze %dma_start3A_207 : memref<1x128xi32, #tpu.memory_space<vmem>> -> memref<128xi32, #tpu.memory_space<vmem>>
      %dma_start3A_209 = arith.constant 0 : i32
      %dma_start3A_210 = arith.constant 0 : i32
      %dma_start3A_211 = tpu.memref_slice %arg25[%dma_start3A_209, %dma_start3A_210] : memref<10112x16xf32, #tpu.memory_space<vmem_shared>> -> memref<10112x16xf32, #tpu.memory_space<vmem_shared>>
      tpu.enqueue_indirect_dma source(%arg24 : memref<128x16xf32, #tpu.memory_space<vmem>>) target(%dma_start3A_211 : memref<10112x16xf32, #tpu.memory_space<vmem_shared>>) offsets(%dma_start3A_208 : memref<128xi32, #tpu.memory_space<vmem>>) semaphore(%arg23 : memref<!tpu.dma_semaphore, #tpu.memory_space<semaphore_mem>>) {add = true}
      %sub3A = arith.constant 1 : i32
      %sub3A_212 = arith.subi %add3A_193, %sub3A : i32
      %dma_wait3A_213 = arith.constant 0 : i32
      %dma_wait3A_214 = tpu.memref_slice %arg13[%sub3A_212, %dma_wait3A_213] : memref<79x128xi32, #tpu.memory_space<vmem>> -> memref<1x128xi32, #tpu.memory_space<vmem>>
      %dma_wait3A_215 = tpu.memref_squeeze %dma_wait3A_214 : memref<1x128xi32, #tpu.memory_space<vmem>> -> memref<128xi32, #tpu.memory_space<vmem>>
      %dma_wait3A_216 = arith.constant 0 : i32
      %dma_wait3A_217 = arith.constant 0 : i32
      %dma_wait3A_218 = tpu.memref_slice %arg17[%dma_wait3A_216, %dma_wait3A_217] : memref<10112x32xf32, #tpu.memory_space<vmem_shared>> -> memref<10112x32xf32, #tpu.memory_space<vmem_shared>>
      tpu.wait_indirect_dma semaphore(%arg22 : memref<!tpu.dma_semaphore, #tpu.memory_space<semaphore_mem>>) src(%arg15 : memref<128x32xf32, #tpu.memory_space<vmem>>) dst(%dma_wait3A_218 : memref<10112x32xf32, #tpu.memory_space<vmem_shared>>)
      %dma_wait3A_219 = arith.constant 0 : i32
      %dma_wait3A_220 = tpu.memref_slice %arg13[%sub3A_212, %dma_wait3A_219] : memref<79x128xi32, #tpu.memory_space<vmem>> -> memref<1x128xi32, #tpu.memory_space<vmem>>
      %dma_wait3A_221 = tpu.memref_squeeze %dma_wait3A_220 : memref<1x128xi32, #tpu.memory_space<vmem>> -> memref<128xi32, #tpu.memory_space<vmem>>
      %dma_wait3A_222 = arith.constant 0 : i32
      %dma_wait3A_223 = arith.constant 0 : i32
      %dma_wait3A_224 = tpu.memref_slice %arg25[%dma_wait3A_222, %dma_wait3A_223] : memref<10112x16xf32, #tpu.memory_space<vmem_shared>> -> memref<10112x16xf32, #tpu.memory_space<vmem_shared>>
      tpu.wait_indirect_dma semaphore(%arg22 : memref<!tpu.dma_semaphore, #tpu.memory_space<semaphore_mem>>) src(%arg24 : memref<128x16xf32, #tpu.memory_space<vmem>>) dst(%dma_wait3A_224 : memref<10112x16xf32, #tpu.memory_space<vmem_shared>>)
      %add3A_225 = arith.constant 2 : i32
      %add3A_226 = arith.addi %add3A_193, %add3A_225 : i32
      %dma_start3A_227 = arith.constant 0 : i32
      %dma_start3A_228 = tpu.memref_slice %arg12[%add3A_226, %dma_start3A_227] : memref<79x128xi32, #tpu.memory_space<vmem>> -> memref<1x128xi32, #tpu.memory_space<vmem>>
      %dma_start3A_229 = tpu.memref_squeeze %dma_start3A_228 : memref<1x128xi32, #tpu.memory_space<vmem>> -> memref<128xi32, #tpu.memory_space<vmem>>
      %dma_start3A_230 = arith.constant 0 : i32
      %dma_start3A_231 = arith.constant 0 : i32
      %dma_start3A_232 = tpu.memref_slice %arg2[%dma_start3A_230, %dma_start3A_231] : memref<10000x32xf32, #tpu.memory_space<hbm>> -> memref<10000x32xf32, #tpu.memory_space<hbm>>
      tpu.enqueue_indirect_dma source(%dma_start3A_232 : memref<10000x32xf32, #tpu.memory_space<hbm>>) target(%arg15 : memref<128x32xf32, #tpu.memory_space<vmem>>) offsets(%dma_start3A_229 : memref<128xi32, #tpu.memory_space<vmem>>) semaphore(%arg19 : memref<!tpu.dma_semaphore, #tpu.memory_space<semaphore_mem>>)
      %add3A_233 = arith.constant 1 : i32
      %add3A_234 = arith.addi %add3A_191, %add3A_233 : i32
      %dma_wait3A_235 = arith.constant 0 : i32
      %dma_wait3A_236 = tpu.memref_slice %arg12[%add3A_234, %dma_wait3A_235] : memref<79x128xi32, #tpu.memory_space<vmem>> -> memref<1x128xi32, #tpu.memory_space<vmem>>
      %dma_wait3A_237 = tpu.memref_squeeze %dma_wait3A_236 : memref<1x128xi32, #tpu.memory_space<vmem>> -> memref<128xi32, #tpu.memory_space<vmem>>
      %dma_wait3A_238 = arith.constant 0 : i32
      %dma_wait3A_239 = arith.constant 0 : i32
      %dma_wait3A_240 = tpu.memref_slice %arg2[%dma_wait3A_238, %dma_wait3A_239] : memref<10000x32xf32, #tpu.memory_space<hbm>> -> memref<10000x32xf32, #tpu.memory_space<hbm>>
      tpu.wait_indirect_dma semaphore(%arg18 : memref<!tpu.dma_semaphore, #tpu.memory_space<semaphore_mem>>) src(%dma_wait3A_240 : memref<10000x32xf32, #tpu.memory_space<hbm>>) dst(%arg14 : memref<128x32xf32, #tpu.memory_space<vmem>>)
      %dma_start3A_241 = arith.constant 0 : i32
      %dma_start3A_242 = tpu.memref_slice %arg13[%add3A_234, %dma_start3A_241] : memref<79x128xi32, #tpu.memory_space<vmem>> -> memref<1x128xi32, #tpu.memory_space<vmem>>
      %dma_start3A_243 = tpu.memref_squeeze %dma_start3A_242 : memref<1x128xi32, #tpu.memory_space<vmem>> -> memref<128xi32, #tpu.memory_space<vmem>>
      %dma_start3A_244 = arith.constant 0 : i32
      %dma_start3A_245 = arith.constant 0 : i32
      %dma_start3A_246 = tpu.memref_slice %arg17[%dma_start3A_244, %dma_start3A_245] : memref<10112x32xf32, #tpu.memory_space<vmem_shared>> -> memref<10112x32xf32, #tpu.memory_space<vmem_shared>>
      tpu.enqueue_indirect_dma source(%arg14 : memref<128x32xf32, #tpu.memory_space<vmem>>) target(%dma_start3A_246 : memref<10112x32xf32, #tpu.memory_space<vmem_shared>>) offsets(%dma_start3A_243 : memref<128xi32, #tpu.memory_space<vmem>>) semaphore(%arg21 : memref<!tpu.dma_semaphore, #tpu.memory_space<semaphore_mem>>) {add = true}
      %dma_start3A_247 = arith.constant 0 : i32
      %dma_start3A_248 = tpu.memref_slice %arg13[%add3A_234, %dma_start3A_247] : memref<79x128xi32, #tpu.memory_space<vmem>> -> memref<1x128xi32, #tpu.memory_space<vmem>>
      %dma_start3A_249 = tpu.memref_squeeze %dma_start3A_248 : memref<1x128xi32, #tpu.memory_space<vmem>> -> memref<128xi32, #tpu.memory_space<vmem>>
      %dma_start3A_250 = arith.constant 0 : i32
      %dma_start3A_251 = arith.constant 0 : i32
      %dma_start3A_252 = tpu.memref_slice %arg25[%dma_start3A_250, %dma_start3A_251] : memref<10112x16xf32, #tpu.memory_space<vmem_shared>> -> memref<10112x16xf32, #tpu.memory_space<vmem_shared>>
      tpu.enqueue_indirect_dma source(%arg24 : memref<128x16xf32, #tpu.memory_space<vmem>>) target(%dma_start3A_252 : memref<10112x16xf32, #tpu.memory_space<vmem_shared>>) offsets(%dma_start3A_249 : memref<128xi32, #tpu.memory_space<vmem>>) semaphore(%arg21 : memref<!tpu.dma_semaphore, #tpu.memory_space<semaphore_mem>>) {add = true}
      %sub3A_253 = arith.constant 1 : i32
      %sub3A_254 = arith.subi %add3A_234, %sub3A_253 : i32
      %dma_wait3A_255 = arith.constant 0 : i32
      %dma_wait3A_256 = tpu.memref_slice %arg13[%sub3A_254, %dma_wait3A_255] : memref<79x128xi32, #tpu.memory_space<vmem>> -> memref<1x128xi32, #tpu.memory_space<vmem>>
      %dma_wait3A_257 = tpu.memref_squeeze %dma_wait3A_256 : memref<1x128xi32, #tpu.memory_space<vmem>> -> memref<128xi32, #tpu.memory_space<vmem>>
      %dma_wait3A_258 = arith.constant 0 : i32
      %dma_wait3A_259 = arith.constant 0 : i32
      %dma_wait3A_260 = tpu.memref_slice %arg17[%dma_wait3A_258, %dma_wait3A_259] : memref<10112x32xf32, #tpu.memory_space<vmem_shared>> -> memref<10112x32xf32, #tpu.memory_space<vmem_shared>>
      tpu.wait_indirect_dma semaphore(%arg23 : memref<!tpu.dma_semaphore, #tpu.memory_space<semaphore_mem>>) src(%arg16 : memref<128x32xf32, #tpu.memory_space<vmem>>) dst(%dma_wait3A_260 : memref<10112x32xf32, #tpu.memory_space<vmem_shared>>)
      %dma_wait3A_261 = arith.constant 0 : i32
      %dma_wait3A_262 = tpu.memref_slice %arg13[%sub3A_254, %dma_wait3A_261] : memref<79x128xi32, #tpu.memory_space<vmem>> -> memref<1x128xi32, #tpu.memory_space<vmem>>
      %dma_wait3A_263 = tpu.memref_squeeze %dma_wait3A_262 : memref<1x128xi32, #tpu.memory_space<vmem>> -> memref<128xi32, #tpu.memory_space<vmem>>
      %dma_wait3A_264 = arith.constant 0 : i32
      %dma_wait3A_265 = arith.constant 0 : i32
      %dma_wait3A_266 = tpu.memref_slice %arg25[%dma_wait3A_264, %dma_wait3A_265] : memref<10112x16xf32, #tpu.memory_space<vmem_shared>> -> memref<10112x16xf32, #tpu.memory_space<vmem_shared>>
      tpu.wait_indirect_dma semaphore(%arg23 : memref<!tpu.dma_semaphore, #tpu.memory_space<semaphore_mem>>) src(%arg24 : memref<128x16xf32, #tpu.memory_space<vmem>>) dst(%dma_wait3A_266 : memref<10112x16xf32, #tpu.memory_space<vmem_shared>>)
      %add3A_267 = arith.constant 2 : i32
      %add3A_268 = arith.addi %add3A_234, %add3A_267 : i32
      %dma_start3A_269 = arith.constant 0 : i32
      %dma_start3A_270 = tpu.memref_slice %arg12[%add3A_268, %dma_start3A_269] : memref<79x128xi32, #tpu.memory_space<vmem>> -> memref<1x128xi32, #tpu.memory_space<vmem>>
      %dma_start3A_271 = tpu.memref_squeeze %dma_start3A_270 : memref<1x128xi32, #tpu.memory_space<vmem>> -> memref<128xi32, #tpu.memory_space<vmem>>
      %dma_start3A_272 = arith.constant 0 : i32
      %dma_start3A_273 = arith.constant 0 : i32
      %dma_start3A_274 = tpu.memref_slice %arg2[%dma_start3A_272, %dma_start3A_273] : memref<10000x32xf32, #tpu.memory_space<hbm>> -> memref<10000x32xf32, #tpu.memory_space<hbm>>
      tpu.enqueue_indirect_dma source(%dma_start3A_274 : memref<10000x32xf32, #tpu.memory_space<hbm>>) target(%arg16 : memref<128x32xf32, #tpu.memory_space<vmem>>) offsets(%dma_start3A_271 : memref<128xi32, #tpu.memory_space<vmem>>) semaphore(%arg20 : memref<!tpu.dma_semaphore, #tpu.memory_space<semaphore_mem>>)
      %add3A_275 = arith.constant 2 : i32
      %add3A_276 = arith.addi %add3A_191, %add3A_275 : i32
      %dma_wait3A_277 = arith.constant 0 : i32
      %dma_wait3A_278 = tpu.memref_slice %arg12[%add3A_276, %dma_wait3A_277] : memref<79x128xi32, #tpu.memory_space<vmem>> -> memref<1x128xi32, #tpu.memory_space<vmem>>
      %dma_wait3A_279 = tpu.memref_squeeze %dma_wait3A_278 : memref<1x128xi32, #tpu.memory_space<vmem>> -> memref<128xi32, #tpu.memory_space<vmem>>
      %dma_wait3A_280 = arith.constant 0 : i32
      %dma_wait3A_281 = arith.constant 0 : i32
      %dma_wait3A_282 = tpu.memref_slice %arg2[%dma_wait3A_280, %dma_wait3A_281] : memref<10000x32xf32, #tpu.memory_space<hbm>> -> memref<10000x32xf32, #tpu.memory_space<hbm>>
      tpu.wait_indirect_dma semaphore(%arg19 : memref<!tpu.dma_semaphore, #tpu.memory_space<semaphore_mem>>) src(%dma_wait3A_282 : memref<10000x32xf32, #tpu.memory_space<hbm>>) dst(%arg15 : memref<128x32xf32, #tpu.memory_space<vmem>>)
      %dma_start3A_283 = arith.constant 0 : i32
      %dma_start3A_284 = tpu.memref_slice %arg13[%add3A_276, %dma_start3A_283] : memref<79x128xi32, #tpu.memory_space<vmem>> -> memref<1x128xi32, #tpu.memory_space<vmem>>
      %dma_start3A_285 = tpu.memref_squeeze %dma_start3A_284 : memref<1x128xi32, #tpu.memory_space<vmem>> -> memref<128xi32, #tpu.memory_space<vmem>>
      %dma_start3A_286 = arith.constant 0 : i32
      %dma_start3A_287 = arith.constant 0 : i32
      %dma_start3A_288 = tpu.memref_slice %arg17[%dma_start3A_286, %dma_start3A_287] : memref<10112x32xf32, #tpu.memory_space<vmem_shared>> -> memref<10112x32xf32, #tpu.memory_space<vmem_shared>>
      tpu.enqueue_indirect_dma source(%arg15 : memref<128x32xf32, #tpu.memory_space<vmem>>) target(%dma_start3A_288 : memref<10112x32xf32, #tpu.memory_space<vmem_shared>>) offsets(%dma_start3A_285 : memref<128xi32, #tpu.memory_space<vmem>>) semaphore(%arg22 : memref<!tpu.dma_semaphore, #tpu.memory_space<semaphore_mem>>) {add = true}
      %dma_start3A_289 = arith.constant 0 : i32
      %dma_start3A_290 = tpu.memref_slice %arg13[%add3A_276, %dma_start3A_289] : memref<79x128xi32, #tpu.memory_space<vmem>> -> memref<1x128xi32, #tpu.memory_space<vmem>>
      %dma_start3A_291 = tpu.memref_squeeze %dma_start3A_290 : memref<1x128xi32, #tpu.memory_space<vmem>> -> memref<128xi32, #tpu.memory_space<vmem>>
      %dma_start3A_292 = arith.constant 0 : i32
      %dma_start3A_293 = arith.constant 0 : i32
      %dma_start3A_294 = tpu.memref_slice %arg25[%dma_start3A_292, %dma_start3A_293] : memref<10112x16xf32, #tpu.memory_space<vmem_shared>> -> memref<10112x16xf32, #tpu.memory_space<vmem_shared>>
      tpu.enqueue_indirect_dma source(%arg24 : memref<128x16xf32, #tpu.memory_space<vmem>>) target(%dma_start3A_294 : memref<10112x16xf32, #tpu.memory_space<vmem_shared>>) offsets(%dma_start3A_291 : memref<128xi32, #tpu.memory_space<vmem>>) semaphore(%arg22 : memref<!tpu.dma_semaphore, #tpu.memory_space<semaphore_mem>>) {add = true}
      %sub3A_295 = arith.constant 1 : i32
      %sub3A_296 = arith.subi %add3A_276, %sub3A_295 : i32
      %dma_wait3A_297 = arith.constant 0 : i32
      %dma_wait3A_298 = tpu.memref_slice %arg13[%sub3A_296, %dma_wait3A_297] : memref<79x128xi32, #tpu.memory_space<vmem>> -> memref<1x128xi32, #tpu.memory_space<vmem>>
      %dma_wait3A_299 = tpu.memref_squeeze %dma_wait3A_298 : memref<1x128xi32, #tpu.memory_space<vmem>> -> memref<128xi32, #tpu.memory_space<vmem>>
      %dma_wait3A_300 = arith.constant 0 : i32
      %dma_wait3A_301 = arith.constant 0 : i32
      %dma_wait3A_302 = tpu.memref_slice %arg17[%dma_wait3A_300, %dma_wait3A_301] : memref<10112x32xf32, #tpu.memory_space<vmem_shared>> -> memref<10112x32xf32, #tpu.memory_space<vmem_shared>>
      tpu.wait_indirect_dma semaphore(%arg21 : memref<!tpu.dma_semaphore, #tpu.memory_space<semaphore_mem>>) src(%arg14 : memref<128x32xf32, #tpu.memory_space<vmem>>) dst(%dma_wait3A_302 : memref<10112x32xf32, #tpu.memory_space<vmem_shared>>)
      %dma_wait3A_303 = arith.constant 0 : i32
      %dma_wait3A_304 = tpu.memref_slice %arg13[%sub3A_296, %dma_wait3A_303] : memref<79x128xi32, #tpu.memory_space<vmem>> -> memref<1x128xi32, #tpu.memory_space<vmem>>
      %dma_wait3A_305 = tpu.memref_squeeze %dma_wait3A_304 : memref<1x128xi32, #tpu.memory_space<vmem>> -> memref<128xi32, #tpu.memory_space<vmem>>
      %dma_wait3A_306 = arith.constant 0 : i32
      %dma_wait3A_307 = arith.constant 0 : i32
      %dma_wait3A_308 = tpu.memref_slice %arg25[%dma_wait3A_306, %dma_wait3A_307] : memref<10112x16xf32, #tpu.memory_space<vmem_shared>> -> memref<10112x16xf32, #tpu.memory_space<vmem_shared>>
      tpu.wait_indirect_dma semaphore(%arg21 : memref<!tpu.dma_semaphore, #tpu.memory_space<semaphore_mem>>) src(%arg24 : memref<128x16xf32, #tpu.memory_space<vmem>>) dst(%dma_wait3A_308 : memref<10112x16xf32, #tpu.memory_space<vmem_shared>>)
      %add3A_309 = arith.constant 2 : i32
      %add3A_310 = arith.addi %add3A_276, %add3A_309 : i32
      %dma_start3A_311 = arith.constant 0 : i32
      %dma_start3A_312 = tpu.memref_slice %arg12[%add3A_310, %dma_start3A_311] : memref<79x128xi32, #tpu.memory_space<vmem>> -> memref<1x128xi32, #tpu.memory_space<vmem>>
      %dma_start3A_313 = tpu.memref_squeeze %dma_start3A_312 : memref<1x128xi32, #tpu.memory_space<vmem>> -> memref<128xi32, #tpu.memory_space<vmem>>
      %dma_start3A_314 = arith.constant 0 : i32
      %dma_start3A_315 = arith.constant 0 : i32
      %dma_start3A_316 = tpu.memref_slice %arg2[%dma_start3A_314, %dma_start3A_315] : memref<10000x32xf32, #tpu.memory_space<hbm>> -> memref<10000x32xf32, #tpu.memory_space<hbm>>
      tpu.enqueue_indirect_dma source(%dma_start3A_316 : memref<10000x32xf32, #tpu.memory_space<hbm>>) target(%arg14 : memref<128x32xf32, #tpu.memory_space<vmem>>) offsets(%dma_start3A_313 : memref<128xi32, #tpu.memory_space<vmem>>) semaphore(%arg18 : memref<!tpu.dma_semaphore, #tpu.memory_space<semaphore_mem>>)
    }
    %scan3A_89 = arith.constant 25 : i32
    %dma_wait3A_90 = arith.constant 77 : i32
    %dma_wait3A_91 = arith.constant 0 : i32
    %dma_wait3A_92 = tpu.memref_slice %arg12[%dma_wait3A_90, %dma_wait3A_91] : memref<79x128xi32, #tpu.memory_space<vmem>> -> memref<1x128xi32, #tpu.memory_space<vmem>>
    %dma_wait3A_93 = tpu.memref_squeeze %dma_wait3A_92 : memref<1x128xi32, #tpu.memory_space<vmem>> -> memref<128xi32, #tpu.memory_space<vmem>>
    %dma_wait3A_94 = arith.constant 0 : i32
    %dma_wait3A_95 = arith.constant 0 : i32
    %dma_wait3A_96 = tpu.memref_slice %arg2[%dma_wait3A_94, %dma_wait3A_95] : memref<10000x32xf32, #tpu.memory_space<hbm>> -> memref<10000x32xf32, #tpu.memory_space<hbm>>
    tpu.wait_indirect_dma semaphore(%arg20 : memref<!tpu.dma_semaphore, #tpu.memory_space<semaphore_mem>>) src(%dma_wait3A_96 : memref<10000x32xf32, #tpu.memory_space<hbm>>) dst(%arg16 : memref<128x32xf32, #tpu.memory_space<vmem>>)
    %dma_start3A_97 = arith.constant 77 : i32
    %dma_start3A_98 = arith.constant 0 : i32
    %dma_start3A_99 = tpu.memref_slice %arg13[%dma_start3A_97, %dma_start3A_98] : memref<79x128xi32, #tpu.memory_space<vmem>> -> memref<1x128xi32, #tpu.memory_space<vmem>>
    %dma_start3A_100 = tpu.memref_squeeze %dma_start3A_99 : memref<1x128xi32, #tpu.memory_space<vmem>> -> memref<128xi32, #tpu.memory_space<vmem>>
    %dma_start3A_101 = arith.constant 0 : i32
    %dma_start3A_102 = arith.constant 0 : i32
    %dma_start3A_103 = tpu.memref_slice %arg17[%dma_start3A_101, %dma_start3A_102] : memref<10112x32xf32, #tpu.memory_space<vmem_shared>> -> memref<10112x32xf32, #tpu.memory_space<vmem_shared>>
    tpu.enqueue_indirect_dma source(%arg16 : memref<128x32xf32, #tpu.memory_space<vmem>>) target(%dma_start3A_103 : memref<10112x32xf32, #tpu.memory_space<vmem_shared>>) offsets(%dma_start3A_100 : memref<128xi32, #tpu.memory_space<vmem>>) semaphore(%arg23 : memref<!tpu.dma_semaphore, #tpu.memory_space<semaphore_mem>>) {add = true}
    %dma_start3A_104 = arith.constant 77 : i32
    %dma_start3A_105 = arith.constant 0 : i32
    %dma_start3A_106 = tpu.memref_slice %arg13[%dma_start3A_104, %dma_start3A_105] : memref<79x128xi32, #tpu.memory_space<vmem>> -> memref<1x128xi32, #tpu.memory_space<vmem>>
    %dma_start3A_107 = tpu.memref_squeeze %dma_start3A_106 : memref<1x128xi32, #tpu.memory_space<vmem>> -> memref<128xi32, #tpu.memory_space<vmem>>
    %dma_start3A_108 = arith.constant 0 : i32
    %dma_start3A_109 = arith.constant 0 : i32
    %dma_start3A_110 = tpu.memref_slice %arg25[%dma_start3A_108, %dma_start3A_109] : memref<10112x16xf32, #tpu.memory_space<vmem_shared>> -> memref<10112x16xf32, #tpu.memory_space<vmem_shared>>
    tpu.enqueue_indirect_dma source(%arg24 : memref<128x16xf32, #tpu.memory_space<vmem>>) target(%dma_start3A_110 : memref<10112x16xf32, #tpu.memory_space<vmem_shared>>) offsets(%dma_start3A_107 : memref<128xi32, #tpu.memory_space<vmem>>) semaphore(%arg23 : memref<!tpu.dma_semaphore, #tpu.memory_space<semaphore_mem>>) {add = true}
    %dma_wait3A_111 = arith.constant 76 : i32
    %dma_wait3A_112 = arith.constant 0 : i32
    %dma_wait3A_113 = tpu.memref_slice %arg13[%dma_wait3A_111, %dma_wait3A_112] : memref<79x128xi32, #tpu.memory_space<vmem>> -> memref<1x128xi32, #tpu.memory_space<vmem>>
    %dma_wait3A_114 = tpu.memref_squeeze %dma_wait3A_113 : memref<1x128xi32, #tpu.memory_space<vmem>> -> memref<128xi32, #tpu.memory_space<vmem>>
    %dma_wait3A_115 = arith.constant 0 : i32
    %dma_wait3A_116 = arith.constant 0 : i32
    %dma_wait3A_117 = tpu.memref_slice %arg17[%dma_wait3A_115, %dma_wait3A_116] : memref<10112x32xf32, #tpu.memory_space<vmem_shared>> -> memref<10112x32xf32, #tpu.memory_space<vmem_shared>>
    tpu.wait_indirect_dma semaphore(%arg22 : memref<!tpu.dma_semaphore, #tpu.memory_space<semaphore_mem>>) src(%arg15 : memref<128x32xf32, #tpu.memory_space<vmem>>) dst(%dma_wait3A_117 : memref<10112x32xf32, #tpu.memory_space<vmem_shared>>)
    %dma_wait3A_118 = arith.constant 76 : i32
    %dma_wait3A_119 = arith.constant 0 : i32
    %dma_wait3A_120 = tpu.memref_slice %arg13[%dma_wait3A_118, %dma_wait3A_119] : memref<79x128xi32, #tpu.memory_space<vmem>> -> memref<1x128xi32, #tpu.memory_space<vmem>>
    %dma_wait3A_121 = tpu.memref_squeeze %dma_wait3A_120 : memref<1x128xi32, #tpu.memory_space<vmem>> -> memref<128xi32, #tpu.memory_space<vmem>>
    %dma_wait3A_122 = arith.constant 0 : i32
    %dma_wait3A_123 = arith.constant 0 : i32
    %dma_wait3A_124 = tpu.memref_slice %arg25[%dma_wait3A_122, %dma_wait3A_123] : memref<10112x16xf32, #tpu.memory_space<vmem_shared>> -> memref<10112x16xf32, #tpu.memory_space<vmem_shared>>
    tpu.wait_indirect_dma semaphore(%arg22 : memref<!tpu.dma_semaphore, #tpu.memory_space<semaphore_mem>>) src(%arg24 : memref<128x16xf32, #tpu.memory_space<vmem>>) dst(%dma_wait3A_124 : memref<10112x16xf32, #tpu.memory_space<vmem_shared>>)
    %dma_wait3A_125 = arith.constant 78 : i32
    %dma_wait3A_126 = arith.constant 0 : i32
    %dma_wait3A_127 = tpu.memref_slice %arg12[%dma_wait3A_125, %dma_wait3A_126] : memref<79x128xi32, #tpu.memory_space<vmem>> -> memref<1x128xi32, #tpu.memory_space<vmem>>
    %dma_wait3A_128 = tpu.memref_squeeze %dma_wait3A_127 : memref<1x128xi32, #tpu.memory_space<vmem>> -> memref<128xi32, #tpu.memory_space<vmem>>
    %dma_wait3A_129 = arith.constant 0 : i32
    %dma_wait3A_130 = arith.constant 0 : i32
    %dma_wait3A_131 = tpu.memref_slice %arg2[%dma_wait3A_129, %dma_wait3A_130] : memref<10000x32xf32, #tpu.memory_space<hbm>> -> memref<10000x32xf32, #tpu.memory_space<hbm>>
    tpu.wait_indirect_dma semaphore(%arg18 : memref<!tpu.dma_semaphore, #tpu.memory_space<semaphore_mem>>) src(%dma_wait3A_131 : memref<10000x32xf32, #tpu.memory_space<hbm>>) dst(%arg14 : memref<128x32xf32, #tpu.memory_space<vmem>>)
    %dma_start3A_132 = arith.constant 78 : i32
    %dma_start3A_133 = arith.constant 0 : i32
    %dma_start3A_134 = tpu.memref_slice %arg13[%dma_start3A_132, %dma_start3A_133] : memref<79x128xi32, #tpu.memory_space<vmem>> -> memref<1x128xi32, #tpu.memory_space<vmem>>
    %dma_start3A_135 = tpu.memref_squeeze %dma_start3A_134 : memref<1x128xi32, #tpu.memory_space<vmem>> -> memref<128xi32, #tpu.memory_space<vmem>>
    %dma_start3A_136 = arith.constant 0 : i32
    %dma_start3A_137 = arith.constant 0 : i32
    %dma_start3A_138 = tpu.memref_slice %arg17[%dma_start3A_136, %dma_start3A_137] : memref<10112x32xf32, #tpu.memory_space<vmem_shared>> -> memref<10112x32xf32, #tpu.memory_space<vmem_shared>>
    tpu.enqueue_indirect_dma source(%arg14 : memref<128x32xf32, #tpu.memory_space<vmem>>) target(%dma_start3A_138 : memref<10112x32xf32, #tpu.memory_space<vmem_shared>>) offsets(%dma_start3A_135 : memref<128xi32, #tpu.memory_space<vmem>>) semaphore(%arg21 : memref<!tpu.dma_semaphore, #tpu.memory_space<semaphore_mem>>) {add = true}
    %dma_start3A_139 = arith.constant 78 : i32
    %dma_start3A_140 = arith.constant 0 : i32
    %dma_start3A_141 = tpu.memref_slice %arg13[%dma_start3A_139, %dma_start3A_140] : memref<79x128xi32, #tpu.memory_space<vmem>> -> memref<1x128xi32, #tpu.memory_space<vmem>>
    %dma_start3A_142 = tpu.memref_squeeze %dma_start3A_141 : memref<1x128xi32, #tpu.memory_space<vmem>> -> memref<128xi32, #tpu.memory_space<vmem>>
    %dma_start3A_143 = arith.constant 0 : i32
    %dma_start3A_144 = arith.constant 0 : i32
    %dma_start3A_145 = tpu.memref_slice %arg25[%dma_start3A_143, %dma_start3A_144] : memref<10112x16xf32, #tpu.memory_space<vmem_shared>> -> memref<10112x16xf32, #tpu.memory_space<vmem_shared>>
    tpu.enqueue_indirect_dma source(%arg24 : memref<128x16xf32, #tpu.memory_space<vmem>>) target(%dma_start3A_145 : memref<10112x16xf32, #tpu.memory_space<vmem_shared>>) offsets(%dma_start3A_142 : memref<128xi32, #tpu.memory_space<vmem>>) semaphore(%arg21 : memref<!tpu.dma_semaphore, #tpu.memory_space<semaphore_mem>>) {add = true}
    %dma_wait3A_146 = arith.constant 77 : i32
    %dma_wait3A_147 = arith.constant 0 : i32
    %dma_wait3A_148 = tpu.memref_slice %arg13[%dma_wait3A_146, %dma_wait3A_147] : memref<79x128xi32, #tpu.memory_space<vmem>> -> memref<1x128xi32, #tpu.memory_space<vmem>>
    %dma_wait3A_149 = tpu.memref_squeeze %dma_wait3A_148 : memref<1x128xi32, #tpu.memory_space<vmem>> -> memref<128xi32, #tpu.memory_space<vmem>>
    %dma_wait3A_150 = arith.constant 0 : i32
    %dma_wait3A_151 = arith.constant 0 : i32
    %dma_wait3A_152 = tpu.memref_slice %arg17[%dma_wait3A_150, %dma_wait3A_151] : memref<10112x32xf32, #tpu.memory_space<vmem_shared>> -> memref<10112x32xf32, #tpu.memory_space<vmem_shared>>
    tpu.wait_indirect_dma semaphore(%arg23 : memref<!tpu.dma_semaphore, #tpu.memory_space<semaphore_mem>>) src(%arg16 : memref<128x32xf32, #tpu.memory_space<vmem>>) dst(%dma_wait3A_152 : memref<10112x32xf32, #tpu.memory_space<vmem_shared>>)
    %dma_wait3A_153 = arith.constant 77 : i32
    %dma_wait3A_154 = arith.constant 0 : i32
    %dma_wait3A_155 = tpu.memref_slice %arg13[%dma_wait3A_153, %dma_wait3A_154] : memref<79x128xi32, #tpu.memory_space<vmem>> -> memref<1x128xi32, #tpu.memory_space<vmem>>
    %dma_wait3A_156 = tpu.memref_squeeze %dma_wait3A_155 : memref<1x128xi32, #tpu.memory_space<vmem>> -> memref<128xi32, #tpu.memory_space<vmem>>
    %dma_wait3A_157 = arith.constant 0 : i32
    %dma_wait3A_158 = arith.constant 0 : i32
    %dma_wait3A_159 = tpu.memref_slice %arg25[%dma_wait3A_157, %dma_wait3A_158] : memref<10112x16xf32, #tpu.memory_space<vmem_shared>> -> memref<10112x16xf32, #tpu.memory_space<vmem_shared>>
    tpu.wait_indirect_dma semaphore(%arg23 : memref<!tpu.dma_semaphore, #tpu.memory_space<semaphore_mem>>) src(%arg24 : memref<128x16xf32, #tpu.memory_space<vmem>>) dst(%dma_wait3A_159 : memref<10112x16xf32, #tpu.memory_space<vmem_shared>>)
    %dma_wait3A_160 = arith.constant 78 : i32
    %dma_wait3A_161 = arith.constant 0 : i32
    %dma_wait3A_162 = tpu.memref_slice %arg13[%dma_wait3A_160, %dma_wait3A_161] : memref<79x128xi32, #tpu.memory_space<vmem>> -> memref<1x128xi32, #tpu.memory_space<vmem>>
    %dma_wait3A_163 = tpu.memref_squeeze %dma_wait3A_162 : memref<1x128xi32, #tpu.memory_space<vmem>> -> memref<128xi32, #tpu.memory_space<vmem>>
    %dma_wait3A_164 = arith.constant 0 : i32
    %dma_wait3A_165 = arith.constant 0 : i32
    %dma_wait3A_166 = tpu.memref_slice %arg17[%dma_wait3A_164, %dma_wait3A_165] : memref<10112x32xf32, #tpu.memory_space<vmem_shared>> -> memref<10112x32xf32, #tpu.memory_space<vmem_shared>>
    tpu.wait_indirect_dma semaphore(%arg21 : memref<!tpu.dma_semaphore, #tpu.memory_space<semaphore_mem>>) src(%arg14 : memref<128x32xf32, #tpu.memory_space<vmem>>) dst(%dma_wait3A_166 : memref<10112x32xf32, #tpu.memory_space<vmem_shared>>)
    %dma_wait3A_167 = arith.constant 78 : i32
    %dma_wait3A_168 = arith.constant 0 : i32
    %dma_wait3A_169 = tpu.memref_slice %arg13[%dma_wait3A_167, %dma_wait3A_168] : memref<79x128xi32, #tpu.memory_space<vmem>> -> memref<1x128xi32, #tpu.memory_space<vmem>>
    %dma_wait3A_170 = tpu.memref_squeeze %dma_wait3A_169 : memref<1x128xi32, #tpu.memory_space<vmem>> -> memref<128xi32, #tpu.memory_space<vmem>>
    %dma_wait3A_171 = arith.constant 0 : i32
    %dma_wait3A_172 = arith.constant 0 : i32
    %dma_wait3A_173 = tpu.memref_slice %arg25[%dma_wait3A_171, %dma_wait3A_172] : memref<10112x16xf32, #tpu.memory_space<vmem_shared>> -> memref<10112x16xf32, #tpu.memory_space<vmem_shared>>
    tpu.wait_indirect_dma semaphore(%arg21 : memref<!tpu.dma_semaphore, #tpu.memory_space<semaphore_mem>>) src(%arg24 : memref<128x16xf32, #tpu.memory_space<vmem>>) dst(%dma_wait3A_173 : memref<10112x16xf32, #tpu.memory_space<vmem_shared>>)
    %barrier3A_174 = arith.constant 0 : index
    tpu.barrier barrier_id(%barrier3A_174)
    %mul3A_175 = arith.constant 632 : i32
    %mul3A_176 = arith.muli %arg1, %mul3A_175 : i32
    %eq3A_177 = arith.constant 0 : i32
    %eq3A_178 = arith.cmpi eq, %arg0, %eq3A_177 : i32
    %convert_element_type3A_179 = arith.extui %eq3A_178 : i1 to i32
    %cond3A_180 = arith.constant 0 : i32
    %cond3A_181 = arith.cmpi ne, %convert_element_type3A_179, %cond3A_180 : i32
    scf.if %cond3A_181 {
      "tpu.region"() ({
        %run_scoped3A = tpu.sem_alloc : memref<!tpu.dma_semaphore, #tpu.memory_space<semaphore_mem>>
        %dma_start3A_187 = arith.constant 0 : i32
        %dma_start3A_188 = tpu.memref_slice %arg8[%mul3A_176, %dma_start3A_187] : memref<10112x32xf32, #tpu.memory_space<hbm>> -> memref<632x32xf32, #tpu.memory_space<hbm>>
        %dma_start3A_189 = arith.constant 0 : i32
        %dma_start3A_190 = tpu.memref_slice %arg17[%mul3A_176, %dma_start3A_189] : memref<10112x32xf32, #tpu.memory_space<vmem_shared>> -> memref<632x32xf32, #tpu.memory_space<vmem_shared>>
        tpu.enqueue_dma source(%dma_start3A_190 : memref<632x32xf32, #tpu.memory_space<vmem_shared>>) target(%dma_start3A_188 : memref<632x32xf32, #tpu.memory_space<hbm>>) target_semaphore(%run_scoped3A : memref<!tpu.dma_semaphore, #tpu.memory_space<semaphore_mem>>)
        %dma_wait3A_191 = arith.constant 0 : i32
        %dma_wait3A_192 = tpu.memref_slice %arg8[%mul3A_176, %dma_wait3A_191] : memref<10112x32xf32, #tpu.memory_space<hbm>> -> memref<632x32xf32, #tpu.memory_space<hbm>>
        %dma_wait3A_193 = arith.constant 0 : i32
        %dma_wait3A_194 = tpu.memref_slice %arg17[%mul3A_176, %dma_wait3A_193] : memref<10112x32xf32, #tpu.memory_space<vmem_shared>> -> memref<632x32xf32, #tpu.memory_space<vmem_shared>>
        tpu.wait_dma2 semaphore(%run_scoped3A : memref<!tpu.dma_semaphore, #tpu.memory_space<semaphore_mem>>) src(%dma_wait3A_194 : memref<632x32xf32, #tpu.memory_space<vmem_shared>>) dst(%dma_wait3A_192 : memref<632x32xf32, #tpu.memory_space<hbm>>)
        tpu.yield
      }) : () -> ()
      "tpu.region"() ({
        %run_scoped3A = tpu.sem_alloc : memref<!tpu.dma_semaphore, #tpu.memory_space<semaphore_mem>>
        %dma_start3A_187 = arith.constant 0 : i32
        %dma_start3A_188 = tpu.memref_slice %arg10[%mul3A_176, %dma_start3A_187] : memref<10112x16xf32, #tpu.memory_space<hbm>> -> memref<632x16xf32, #tpu.memory_space<hbm>>
        %dma_start3A_189 = arith.constant 0 : i32
        %dma_start3A_190 = tpu.memref_slice %arg25[%mul3A_176, %dma_start3A_189] : memref<10112x16xf32, #tpu.memory_space<vmem_shared>> -> memref<632x16xf32, #tpu.memory_space<vmem_shared>>
        tpu.enqueue_dma source(%dma_start3A_190 : memref<632x16xf32, #tpu.memory_space<vmem_shared>>) target(%dma_start3A_188 : memref<632x16xf32, #tpu.memory_space<hbm>>) target_semaphore(%run_scoped3A : memref<!tpu.dma_semaphore, #tpu.memory_space<semaphore_mem>>)
        %dma_wait3A_191 = arith.constant 0 : i32
        %dma_wait3A_192 = tpu.memref_slice %arg10[%mul3A_176, %dma_wait3A_191] : memref<10112x16xf32, #tpu.memory_space<hbm>> -> memref<632x16xf32, #tpu.memory_space<hbm>>
        %dma_wait3A_193 = arith.constant 0 : i32
        %dma_wait3A_194 = tpu.memref_slice %arg25[%mul3A_176, %dma_wait3A_193] : memref<10112x16xf32, #tpu.memory_space<vmem_shared>> -> memref<632x16xf32, #tpu.memory_space<vmem_shared>>
        tpu.wait_dma2 semaphore(%run_scoped3A : memref<!tpu.dma_semaphore, #tpu.memory_space<semaphore_mem>>) src(%dma_wait3A_194 : memref<632x16xf32, #tpu.memory_space<vmem_shared>>) dst(%dma_wait3A_192 : memref<632x16xf32, #tpu.memory_space<hbm>>)
        tpu.yield
      }) : () -> ()
    } else {
    }
    %eq3A_182 = arith.constant 1 : i32
    %eq3A_183 = arith.cmpi eq, %arg0, %eq3A_182 : i32
    %convert_element_type3A_184 = arith.extui %eq3A_183 : i1 to i32
    %cond3A_185 = arith.constant 0 : i32
    %cond3A_186 = arith.cmpi ne, %convert_element_type3A_184, %cond3A_185 : i32
    scf.if %cond3A_186 {
      "tpu.region"() ({
        %run_scoped3A = tpu.sem_alloc : memref<!tpu.dma_semaphore, #tpu.memory_space<semaphore_mem>>
        %dma_start3A_187 = arith.constant 0 : i32
        %dma_start3A_188 = tpu.memref_slice %arg9[%mul3A_176, %dma_start3A_187] : memref<10112x32xf32, #tpu.memory_space<hbm>> -> memref<632x32xf32, #tpu.memory_space<hbm>>
        %dma_start3A_189 = arith.constant 0 : i32
        %dma_start3A_190 = tpu.memref_slice %arg17[%mul3A_176, %dma_start3A_189] : memref<10112x32xf32, #tpu.memory_space<vmem_shared>> -> memref<632x32xf32, #tpu.memory_space<vmem_shared>>
        tpu.enqueue_dma source(%dma_start3A_190 : memref<632x32xf32, #tpu.memory_space<vmem_shared>>) target(%dma_start3A_188 : memref<632x32xf32, #tpu.memory_space<hbm>>) target_semaphore(%run_scoped3A : memref<!tpu.dma_semaphore, #tpu.memory_space<semaphore_mem>>)
        %dma_wait3A_191 = arith.constant 0 : i32
        %dma_wait3A_192 = tpu.memref_slice %arg9[%mul3A_176, %dma_wait3A_191] : memref<10112x32xf32, #tpu.memory_space<hbm>> -> memref<632x32xf32, #tpu.memory_space<hbm>>
        %dma_wait3A_193 = arith.constant 0 : i32
        %dma_wait3A_194 = tpu.memref_slice %arg17[%mul3A_176, %dma_wait3A_193] : memref<10112x32xf32, #tpu.memory_space<vmem_shared>> -> memref<632x32xf32, #tpu.memory_space<vmem_shared>>
        tpu.wait_dma2 semaphore(%run_scoped3A : memref<!tpu.dma_semaphore, #tpu.memory_space<semaphore_mem>>) src(%dma_wait3A_194 : memref<632x32xf32, #tpu.memory_space<vmem_shared>>) dst(%dma_wait3A_192 : memref<632x32xf32, #tpu.memory_space<hbm>>)
        tpu.yield
      }) : () -> ()
      "tpu.region"() ({
        %run_scoped3A = tpu.sem_alloc : memref<!tpu.dma_semaphore, #tpu.memory_space<semaphore_mem>>
        %dma_start3A_187 = arith.constant 0 : i32
        %dma_start3A_188 = tpu.memref_slice %arg11[%mul3A_176, %dma_start3A_187] : memref<10112x16xf32, #tpu.memory_space<hbm>> -> memref<632x16xf32, #tpu.memory_space<hbm>>
        %dma_start3A_189 = arith.constant 0 : i32
        %dma_start3A_190 = tpu.memref_slice %arg25[%mul3A_176, %dma_start3A_189] : memref<10112x16xf32, #tpu.memory_space<vmem_shared>> -> memref<632x16xf32, #tpu.memory_space<vmem_shared>>
        tpu.enqueue_dma source(%dma_start3A_190 : memref<632x16xf32, #tpu.memory_space<vmem_shared>>) target(%dma_start3A_188 : memref<632x16xf32, #tpu.memory_space<hbm>>) target_semaphore(%run_scoped3A : memref<!tpu.dma_semaphore, #tpu.memory_space<semaphore_mem>>)
        %dma_wait3A_191 = arith.constant 0 : i32
        %dma_wait3A_192 = tpu.memref_slice %arg11[%mul3A_176, %dma_wait3A_191] : memref<10112x16xf32, #tpu.memory_space<hbm>> -> memref<632x16xf32, #tpu.memory_space<hbm>>
        %dma_wait3A_193 = arith.constant 0 : i32
        %dma_wait3A_194 = tpu.memref_slice %arg25[%mul3A_176, %dma_wait3A_193] : memref<10112x16xf32, #tpu.memory_space<vmem_shared>> -> memref<632x16xf32, #tpu.memory_space<vmem_shared>>
        tpu.wait_dma2 semaphore(%run_scoped3A : memref<!tpu.dma_semaphore, #tpu.memory_space<semaphore_mem>>) src(%dma_wait3A_194 : memref<632x16xf32, #tpu.memory_space<vmem_shared>>) dst(%dma_wait3A_192 : memref<632x16xf32, #tpu.memory_space<hbm>>)
        tpu.yield
      }) : () -> ()
    } else {
    }
    return
  }
}

module attributes {stable_mosaic.version = 14 : i64} {
  func.func @_mm_body(%arg0: i32, %arg1: memref<2000x128xf32, #tpu.memory_space<vmem>>, %arg2: memref<128x32xf32, #tpu.memory_space<vmem>>, %arg3: memref<128x32xf32, #tpu.memory_space<vmem>>, %arg4: memref<2000x32xf32, #tpu.memory_space<vmem>>, %arg5: memref<2000x32xf32, #tpu.memory_space<vmem>>) attributes {dimension_semantics = [#tpu.dimension_semantics<arbitrary>], iteration_bounds = array<i64: 5>, scalar_prefetch = 0 : i64, scratch_operands = 0 : i64, tpu.core_type = #tpu.core_type<tc>, window_params = [{transform_indices = @transform_0, window_bounds = array<i64: 2000, 128>}, {pipeline_mode = #tpu.pipeline_mode<synchronous>, transform_indices = @transform_1, window_bounds = array<i64: 128, 32>}, {pipeline_mode = #tpu.pipeline_mode<synchronous>, transform_indices = @transform_2, window_bounds = array<i64: 128, 32>}, {transform_indices = @transform_3, window_bounds = array<i64: 2000, 32>}, {transform_indices = @transform_4, window_bounds = array<i64: 2000, 32>}]} {
    %get3A = arith.constant 0 : index
    %get3A_0 = arith.constant 0 : index
    %get3A_1 = vector.load %arg1[%get3A, %get3A_0] : memref<2000x128xf32, #tpu.memory_space<vmem>>, vector<2000x128xf32>
    %get3A_2 = arith.constant 0 : index
    %get3A_3 = arith.constant 0 : index
    %get3A_4 = vector.load %arg2[%get3A_2, %get3A_3] : memref<128x32xf32, #tpu.memory_space<vmem>>, vector<128x32xf32>
    %dot_general3A = arith.constant dense<0.000000e+00> : vector<2000x32xf32>
    %dot_general3A_5 = tpu.matmul %get3A_1, %get3A_4, %dot_general3A {dimension_numbers = #tpu.dot_dimension_numbers<[1], [0], [0], [1], [0, 0, 1, 1], [], []>, transpose_lhs_hint = false} : vector<2000x128xf32>, vector<128x32xf32>, vector<2000x32xf32> -> vector<2000x32xf32>
    %swap3A = arith.constant 0 : index
    %swap3A_6 = arith.constant 0 : index
    %swap3A_7 = vector.load %arg4[%swap3A, %swap3A_6] : memref<2000x32xf32, #tpu.memory_space<vmem>>, vector<2000x32xf32>
    tpu.vector_store %arg4[%swap3A, %swap3A_6], %dot_general3A_5 {strides = array<i32>} : memref<2000x32xf32, #tpu.memory_space<vmem>>, vector<2000x32xf32>,
    %get3A_8 = arith.constant 0 : index
    %get3A_9 = arith.constant 0 : index
    %get3A_10 = vector.load %arg3[%get3A_8, %get3A_9] : memref<128x32xf32, #tpu.memory_space<vmem>>, vector<128x32xf32>
    %dot_general3A_11 = arith.constant dense<0.000000e+00> : vector<2000x32xf32>
    %dot_general3A_12 = tpu.matmul %get3A_1, %get3A_10, %dot_general3A_11 {dimension_numbers = #tpu.dot_dimension_numbers<[1], [0], [0], [1], [0, 0, 1, 1], [], []>, transpose_lhs_hint = false} : vector<2000x128xf32>, vector<128x32xf32>, vector<2000x32xf32> -> vector<2000x32xf32>
    %swap3A_13 = arith.constant 0 : index
    %swap3A_14 = arith.constant 0 : index
    %swap3A_15 = vector.load %arg5[%swap3A_13, %swap3A_14] : memref<2000x32xf32, #tpu.memory_space<vmem>>, vector<2000x32xf32>
    tpu.vector_store %arg5[%swap3A_13, %swap3A_14], %dot_general3A_12 {strides = array<i32>} : memref<2000x32xf32, #tpu.memory_space<vmem>>, vector<2000x32xf32>,
    return
  }
  func.func @transform_0(%arg0: i32) -> (i32, i32) {
    %c0_i32 = arith.constant 0 : i32
    %c0_i32_0 = arith.constant 0 : i32
    return %arg0, %c0_i32 : i32, i32
  }
  func.func @transform_1(%arg0: i32) -> (i32, i32) {
    %c0_i32 = arith.constant 0 : i32
    %c0_i32_0 = arith.constant 0 : i32
    %c0_i32_1 = arith.constant 0 : i32
    return %c0_i32, %c0_i32_0 : i32, i32
  }
  func.func @transform_2(%arg0: i32) -> (i32, i32) {
    %c0_i32 = arith.constant 0 : i32
    %c0_i32_0 = arith.constant 0 : i32
    %c0_i32_1 = arith.constant 0 : i32
    return %c0_i32, %c0_i32_0 : i32, i32
  }
  func.func @transform_3(%arg0: i32) -> (i32, i32) {
    %c0_i32 = arith.constant 0 : i32
    %c0_i32_0 = arith.constant 0 : i32
    return %arg0, %c0_i32 : i32, i32
  }
  func.func @transform_4(%arg0: i32) -> (i32, i32) {
    %c0_i32 = arith.constant 0 : i32
    %c0_i32_0 = arith.constant 0 : i32
    return %arg0, %c0_i32 : i32, i32
  }
}

module attributes {stable_mosaic.version = 14 : i64} {
  func.func @_h_body(%arg0: i32, %arg1: memref<2000x32xf32, #tpu.memory_space<vmem>>, %arg2: memref<2000x32xf32, #tpu.memory_space<vmem>>, %arg3: memref<2000x32xf32, #tpu.memory_space<vmem>>, %arg4: memref<2000x16xf32, #tpu.memory_space<vmem>>, %arg5: memref<2000x16xf32, #tpu.memory_space<vmem>>, %arg6: memref<1x32xf32, #tpu.memory_space<vmem>>, %arg7: memref<2000x32xf32, #tpu.memory_space<vmem>>) attributes {dimension_semantics = [#tpu.dimension_semantics<arbitrary>], iteration_bounds = array<i64: 5>, scalar_prefetch = 0 : i64, scratch_operands = 0 : i64, tpu.core_type = #tpu.core_type<tc>, window_params = [{transform_indices = @transform_0, window_bounds = array<i64: 2000, 32>}, {transform_indices = @transform_1, window_bounds = array<i64: 2000, 32>}, {transform_indices = @transform_2, window_bounds = array<i64: 2000, 32>}, {transform_indices = @transform_3, window_bounds = array<i64: 2000, 16>}, {transform_indices = @transform_4, window_bounds = array<i64: 2000, 16>}, {pipeline_mode = #tpu.pipeline_mode<synchronous>, transform_indices = @transform_5, window_bounds = array<i64: 1, 32>}, {transform_indices = @transform_6, window_bounds = array<i64: 2000, 32>}]} {
    %get3A = arith.constant 0 : index
    %get3A_0 = arith.constant 0 : index
    %get3A_1 = vector.load %arg4[%get3A, %get3A_0] : memref<2000x16xf32, #tpu.memory_space<vmem>>, vector<2000x1xf32>
    %get3A_2 = arith.constant 0 : index
    %get3A_3 = arith.constant 0 : index
    %get3A_4 = vector.load %arg5[%get3A_2, %get3A_3] : memref<2000x16xf32, #tpu.memory_space<vmem>>, vector<2000x1xf32>
    %add3A = arith.addf %get3A_1, %get3A_4 : vector<2000x1xf32>
    %max3A = arith.constant 1.000000e+00 : f32
    %max3A_5 = vector.broadcast %max3A : f32 to vector<2000x1xf32>
    %max3A_6 = arith.maximumf %add3A, %max3A_5 : vector<2000x1xf32>
    %div3A = arith.constant 1.000000e+00 : f32
    %div3A_7 = vector.broadcast %div3A : f32 to vector<2000x1xf32>
    %div3A_8 = arith.divf %div3A_7, %max3A_6 : vector<2000x1xf32>
    %get3A_9 = arith.constant 0 : index
    %get3A_10 = arith.constant 0 : index
    %get3A_11 = vector.load %arg2[%get3A_9, %get3A_10] : memref<2000x32xf32, #tpu.memory_space<vmem>>, vector<2000x32xf32>
    %get3A_12 = arith.constant 0 : index
    %get3A_13 = arith.constant 0 : index
    %get3A_14 = vector.load %arg3[%get3A_12, %get3A_13] : memref<2000x32xf32, #tpu.memory_space<vmem>>, vector<2000x32xf32>
    %add3A_15 = arith.addf %get3A_11, %get3A_14 : vector<2000x32xf32>
    %get3A_16 = arith.constant 0 : index
    %get3A_17 = arith.constant 0 : index
    %get3A_18 = vector.load %arg1[%get3A_16, %get3A_17] : memref<2000x32xf32, #tpu.memory_space<vmem>>, vector<2000x32xf32>
    %mul3A = vector.broadcast %div3A_8 : vector<2000x1xf32> to vector<2000x32xf32>
    %mul3A_19 = arith.mulf %add3A_15, %mul3A : vector<2000x32xf32>
    %add3A_20 = arith.addf %get3A_18, %mul3A_19 : vector<2000x32xf32>
    %get3A_21 = arith.constant 0 : index
    %get3A_22 = arith.constant 0 : index
    %get3A_23 = vector.load %arg6[%get3A_21, %get3A_22] : memref<1x32xf32, #tpu.memory_space<vmem>>, vector<1x32xf32>
    %add3A_24 = vector.broadcast %get3A_23 : vector<1x32xf32> to vector<2000x32xf32>
    %add3A_25 = arith.addf %add3A_20, %add3A_24 : vector<2000x32xf32>
    %max3A_26 = arith.constant 0.000000e+00 : f32
    %max3A_27 = vector.broadcast %max3A_26 : f32 to vector<2000x32xf32>
    %max3A_28 = arith.maximumf %add3A_25, %max3A_27 : vector<2000x32xf32>
    %swap3A = arith.constant 0 : index
    %swap3A_29 = arith.constant 0 : index
    %swap3A_30 = vector.load %arg7[%swap3A, %swap3A_29] : memref<2000x32xf32, #tpu.memory_space<vmem>>, vector<2000x32xf32>
    tpu.vector_store %arg7[%swap3A, %swap3A_29], %max3A_28 {strides = array<i32>} : memref<2000x32xf32, #tpu.memory_space<vmem>>, vector<2000x32xf32>,
    return
  }
  func.func @transform_0(%arg0: i32) -> (i32, i32) {
    %c0_i32 = arith.constant 0 : i32
    %c0_i32_0 = arith.constant 0 : i32
    return %arg0, %c0_i32 : i32, i32
  }
  func.func @transform_1(%arg0: i32) -> (i32, i32) {
    %c0_i32 = arith.constant 0 : i32
    %c0_i32_0 = arith.constant 0 : i32
    return %arg0, %c0_i32 : i32, i32
  }
  func.func @transform_2(%arg0: i32) -> (i32, i32) {
    %c0_i32 = arith.constant 0 : i32
    %c0_i32_0 = arith.constant 0 : i32
    return %arg0, %c0_i32 : i32, i32
  }
  func.func @transform_3(%arg0: i32) -> (i32, i32) {
    %c0_i32 = arith.constant 0 : i32
    %c0_i32_0 = arith.constant 0 : i32
    return %arg0, %c0_i32 : i32, i32
  }
  func.func @transform_4(%arg0: i32) -> (i32, i32) {
    %c0_i32 = arith.constant 0 : i32
    %c0_i32_0 = arith.constant 0 : i32
    return %arg0, %c0_i32 : i32, i32
  }
  func.func @transform_5(%arg0: i32) -> (i32, i32) {
    %c0_i32 = arith.constant 0 : i32
    %c0_i32_0 = arith.constant 0 : i32
    %c0_i32_1 = arith.constant 0 : i32
    return %c0_i32, %c0_i32_0 : i32, i32
  }
  func.func @transform_6(%arg0: i32) -> (i32, i32) {
    %c0_i32 = arith.constant 0 : i32
    %c0_i32_0 = arith.constant 0 : i32
    return %arg0, %c0_i32 : i32, i32
  }
}

module attributes {stable_mosaic.version = 14 : i64} {
  func.func @_mll_body(%arg0: i32, %arg1: memref<2000x32xf32, #tpu.memory_space<vmem>>, %arg2: memref<2000x32xf32, #tpu.memory_space<vmem>>, %arg3: memref<2000x32xf32, #tpu.memory_space<vmem>>, %arg4: memref<2000x16xf32, #tpu.memory_space<vmem>>, %arg5: memref<2000x16xf32, #tpu.memory_space<vmem>>, %arg6: memref<32x32xf32, #tpu.memory_space<vmem>>, %arg7: memref<32x32xf32, #tpu.memory_space<vmem>>, %arg8: memref<1x32xf32, #tpu.memory_space<vmem>>, %arg9: memref<32x32xf32, #tpu.memory_space<vmem>>, %arg10: memref<32x32xf32, #tpu.memory_space<vmem>>, %arg11: memref<1x32xf32, #tpu.memory_space<vmem>>, %arg12: memref<2000x32xf32, #tpu.memory_space<vmem>>, %arg13: memref<2000x32xf32, #tpu.memory_space<vmem>>, %arg14: memref<2000x32xf32, #tpu.memory_space<vmem>>, %arg15: memref<2000x32xf32, #tpu.memory_space<vmem>>) attributes {dimension_semantics = [#tpu.dimension_semantics<arbitrary>], iteration_bounds = array<i64: 5>, scalar_prefetch = 0 : i64, scratch_operands = 0 : i64, tpu.core_type = #tpu.core_type<tc>, window_params = [{transform_indices = @transform_0, window_bounds = array<i64: 2000, 32>}, {transform_indices = @transform_1, window_bounds = array<i64: 2000, 32>}, {transform_indices = @transform_2, window_bounds = array<i64: 2000, 32>}, {transform_indices = @transform_3, window_bounds = array<i64: 2000, 16>}, {transform_indices = @transform_4, window_bounds = array<i64: 2000, 16>}, {pipeline_mode = #tpu.pipeline_mode<synchronous>, transform_indices = @transform_5, window_bounds = array<i64: 32, 32>}, {pipeline_mode = #tpu.pipeline_mode<synchronous>, transform_indices = @transform_6, window_bounds = array<i64: 32, 32>}, {pipeline_mode = #tpu.pipeline_mode<synchronous>, transform_indices = @transform_7, window_bounds = array<i64: 1, 32>}, {pipeline_mode = #tpu.pipeline_mode<synchronous>, transform_indices = @transform_8, window_bounds = array<i64: 32, 32>}, {pipeline_mode = #tpu.pipeline_mode<synchronous>, transform_indices = @transform_9, window_bounds = array<i64: 32, 32>}, {pipeline_mode = #tpu.pipeline_mode<synchronous>, transform_indices = @transform_10, window_bounds = array<i64: 1, 32>}, {transform_indices = @transform_11, window_bounds = array<i64: 2000, 32>}, {transform_indices = @transform_12, window_bounds = array<i64: 2000, 32>}, {transform_indices = @transform_13, window_bounds = array<i64: 2000, 32>}, {transform_indices = @transform_14, window_bounds = array<i64: 2000, 32>}]} {
    %get3A = arith.constant 0 : index
    %get3A_0 = arith.constant 0 : index
    %get3A_1 = vector.load %arg4[%get3A, %get3A_0] : memref<2000x16xf32, #tpu.memory_space<vmem>>, vector<2000x1xf32>
    %get3A_2 = arith.constant 0 : index
    %get3A_3 = arith.constant 0 : index
    %get3A_4 = vector.load %arg5[%get3A_2, %get3A_3] : memref<2000x16xf32, #tpu.memory_space<vmem>>, vector<2000x1xf32>
    %add3A = arith.addf %get3A_1, %get3A_4 : vector<2000x1xf32>
    %max3A = arith.constant 1.000000e+00 : f32
    %max3A_5 = vector.broadcast %max3A : f32 to vector<2000x1xf32>
    %max3A_6 = arith.maximumf %add3A, %max3A_5 : vector<2000x1xf32>
    %div3A = arith.constant 1.000000e+00 : f32
    %div3A_7 = vector.broadcast %div3A : f32 to vector<2000x1xf32>
    %div3A_8 = arith.divf %div3A_7, %max3A_6 : vector<2000x1xf32>
    %get3A_9 = arith.constant 0 : index
    %get3A_10 = arith.constant 0 : index
    %get3A_11 = vector.load %arg2[%get3A_9, %get3A_10] : memref<2000x32xf32, #tpu.memory_space<vmem>>, vector<2000x32xf32>
    %get3A_12 = arith.constant 0 : index
    %get3A_13 = arith.constant 0 : index
    %get3A_14 = vector.load %arg3[%get3A_12, %get3A_13] : memref<2000x32xf32, #tpu.memory_space<vmem>>, vector<2000x32xf32>
    %add3A_15 = arith.addf %get3A_11, %get3A_14 : vector<2000x32xf32>
    %mul3A = vector.broadcast %div3A_8 : vector<2000x1xf32> to vector<2000x32xf32>
    %mul3A_16 = arith.mulf %add3A_15, %mul3A : vector<2000x32xf32>
    %get3A_17 = arith.constant 0 : index
    %get3A_18 = arith.constant 0 : index
    %get3A_19 = vector.load %arg1[%get3A_17, %get3A_18] : memref<2000x32xf32, #tpu.memory_space<vmem>>, vector<2000x32xf32>
    %get3A_20 = arith.constant 0 : index
    %get3A_21 = arith.constant 0 : index
    %get3A_22 = vector.load %arg6[%get3A_20, %get3A_21] : memref<32x32xf32, #tpu.memory_space<vmem>>, vector<32x32xf32>
    %dot_general3A = arith.constant dense<0.000000e+00> : vector<2000x32xf32>
    %dot_general3A_23 = tpu.matmul %get3A_19, %get3A_22, %dot_general3A {dimension_numbers = #tpu.dot_dimension_numbers<[1], [0], [0], [1], [0, 0, 1, 1], [], []>, transpose_lhs_hint = false} : vector<2000x32xf32>, vector<32x32xf32>, vector<2000x32xf32> -> vector<2000x32xf32>
    %get3A_24 = arith.constant 0 : index
    %get3A_25 = arith.constant 0 : index
    %get3A_26 = vector.load %arg7[%get3A_24, %get3A_25] : memref<32x32xf32, #tpu.memory_space<vmem>>, vector<32x32xf32>
    %dot_general3A_27 = arith.constant dense<0.000000e+00> : vector<2000x32xf32>
    %dot_general3A_28 = tpu.matmul %mul3A_16, %get3A_26, %dot_general3A_27 {dimension_numbers = #tpu.dot_dimension_numbers<[1], [0], [0], [1], [0, 0, 1, 1], [], []>, transpose_lhs_hint = false} : vector<2000x32xf32>, vector<32x32xf32>, vector<2000x32xf32> -> vector<2000x32xf32>
    %add3A_29 = arith.addf %dot_general3A_23, %dot_general3A_28 : vector<2000x32xf32>
    %get3A_30 = arith.constant 0 : index
    %get3A_31 = arith.constant 0 : index
    %get3A_32 = vector.load %arg8[%get3A_30, %get3A_31] : memref<1x32xf32, #tpu.memory_space<vmem>>, vector<1x32xf32>
    %add3A_33 = vector.broadcast %get3A_32 : vector<1x32xf32> to vector<2000x32xf32>
    %add3A_34 = arith.addf %add3A_29, %add3A_33 : vector<2000x32xf32>
    %get3A_35 = arith.constant 0 : index
    %get3A_36 = arith.constant 0 : index
    %get3A_37 = vector.load %arg9[%get3A_35, %get3A_36] : memref<32x32xf32, #tpu.memory_space<vmem>>, vector<32x32xf32>
    %dot_general3A_38 = arith.constant dense<0.000000e+00> : vector<2000x32xf32>
    %dot_general3A_39 = tpu.matmul %get3A_19, %get3A_37, %dot_general3A_38 {dimension_numbers = #tpu.dot_dimension_numbers<[1], [0], [0], [1], [0, 0, 1, 1], [], []>, transpose_lhs_hint = false} : vector<2000x32xf32>, vector<32x32xf32>, vector<2000x32xf32> -> vector<2000x32xf32>
    %get3A_40 = arith.constant 0 : index
    %get3A_41 = arith.constant 0 : index
    %get3A_42 = vector.load %arg10[%get3A_40, %get3A_41] : memref<32x32xf32, #tpu.memory_space<vmem>>, vector<32x32xf32>
    %dot_general3A_43 = arith.constant dense<0.000000e+00> : vector<2000x32xf32>
    %dot_general3A_44 = tpu.matmul %mul3A_16, %get3A_42, %dot_general3A_43 {dimension_numbers = #tpu.dot_dimension_numbers<[1], [0], [0], [1], [0, 0, 1, 1], [], []>, transpose_lhs_hint = false} : vector<2000x32xf32>, vector<32x32xf32>, vector<2000x32xf32> -> vector<2000x32xf32>
    %add3A_45 = arith.addf %dot_general3A_39, %dot_general3A_44 : vector<2000x32xf32>
    %get3A_46 = arith.constant 0 : index
    %get3A_47 = arith.constant 0 : index
    %get3A_48 = vector.load %arg11[%get3A_46, %get3A_47] : memref<1x32xf32, #tpu.memory_space<vmem>>, vector<1x32xf32>
    %add3A_49 = vector.broadcast %get3A_48 : vector<1x32xf32> to vector<2000x32xf32>
    %add3A_50 = arith.addf %add3A_45, %add3A_49 : vector<2000x32xf32>
    %swap3A = arith.constant 0 : index
    %swap3A_51 = arith.constant 0 : index
    %swap3A_52 = vector.load %arg13[%swap3A, %swap3A_51] : memref<2000x32xf32, #tpu.memory_space<vmem>>, vector<2000x32xf32>
    tpu.vector_store %arg13[%swap3A, %swap3A_51], %add3A_34 {strides = array<i32>} : memref<2000x32xf32, #tpu.memory_space<vmem>>, vector<2000x32xf32>,
    %swap3A_53 = arith.constant 0 : index
    %swap3A_54 = arith.constant 0 : index
    %swap3A_55 = vector.load %arg14[%swap3A_53, %swap3A_54] : memref<2000x32xf32, #tpu.memory_space<vmem>>, vector<2000x32xf32>
    tpu.vector_store %arg14[%swap3A_53, %swap3A_54], %add3A_50 {strides = array<i32>} : memref<2000x32xf32, #tpu.memory_space<vmem>>, vector<2000x32xf32>,
    %get3A_56 = arith.constant 0 : index
    %get3A_57 = arith.constant 0 : index
    %get3A_58 = vector.load %arg12[%get3A_56, %get3A_57] : memref<2000x32xf32, #tpu.memory_space<vmem>>, vector<2000x32xf32>
    %exp3A = math.exp %add3A_50 : vector<2000x32xf32>
    %mul3A_59 = arith.mulf %get3A_58, %exp3A : vector<2000x32xf32>
    %add3A_60 = arith.addf %add3A_34, %mul3A_59 : vector<2000x32xf32>
    %swap3A_61 = arith.constant 0 : index
    %swap3A_62 = arith.constant 0 : index
    %swap3A_63 = vector.load %arg15[%swap3A_61, %swap3A_62] : memref<2000x32xf32, #tpu.memory_space<vmem>>, vector<2000x32xf32>
    tpu.vector_store %arg15[%swap3A_61, %swap3A_62], %add3A_60 {strides = array<i32>} : memref<2000x32xf32, #tpu.memory_space<vmem>>, vector<2000x32xf32>,
    return
  }
  func.func @transform_0(%arg0: i32) -> (i32, i32) {
    %c0_i32 = arith.constant 0 : i32
    %c0_i32_0 = arith.constant 0 : i32
    return %arg0, %c0_i32 : i32, i32
  }
  func.func @transform_1(%arg0: i32) -> (i32, i32) {
    %c0_i32 = arith.constant 0 : i32
    %c0_i32_0 = arith.constant 0 : i32
    return %arg0, %c0_i32 : i32, i32
  }
  func.func @transform_2(%arg0: i32) -> (i32, i32) {
    %c0_i32 = arith.constant 0 : i32
    %c0_i32_0 = arith.constant 0 : i32
    return %arg0, %c0_i32 : i32, i32
  }
  func.func @transform_3(%arg0: i32) -> (i32, i32) {
    %c0_i32 = arith.constant 0 : i32
    %c0_i32_0 = arith.constant 0 : i32
    return %arg0, %c0_i32 : i32, i32
  }
  func.func @transform_4(%arg0: i32) -> (i32, i32) {
    %c0_i32 = arith.constant 0 : i32
    %c0_i32_0 = arith.constant 0 : i32
    return %arg0, %c0_i32 : i32, i32
  }
  func.func @transform_5(%arg0: i32) -> (i32, i32) {
    %c0_i32 = arith.constant 0 : i32
    %c0_i32_0 = arith.constant 0 : i32
    %c0_i32_1 = arith.constant 0 : i32
    return %c0_i32, %c0_i32_0 : i32, i32
  }
  func.func @transform_6(%arg0: i32) -> (i32, i32) {
    %c0_i32 = arith.constant 0 : i32
    %c0_i32_0 = arith.constant 0 : i32
    %c0_i32_1 = arith.constant 0 : i32
    return %c0_i32, %c0_i32_0 : i32, i32
  }
  func.func @transform_7(%arg0: i32) -> (i32, i32) {
    %c0_i32 = arith.constant 0 : i32
    %c0_i32_0 = arith.constant 0 : i32
    %c0_i32_1 = arith.constant 0 : i32
    return %c0_i32, %c0_i32_0 : i32, i32
  }
  func.func @transform_8(%arg0: i32) -> (i32, i32) {
    %c0_i32 = arith.constant 0 : i32
    %c0_i32_0 = arith.constant 0 : i32
    %c0_i32_1 = arith.constant 0 : i32
    return %c0_i32, %c0_i32_0 : i32, i32
  }
  func.func @transform_9(%arg0: i32) -> (i32, i32) {
    %c0_i32 = arith.constant 0 : i32
    %c0_i32_0 = arith.constant 0 : i32
    %c0_i32_1 = arith.constant 0 : i32
    return %c0_i32, %c0_i32_0 : i32, i32
  }
  func.func @transform_10(%arg0: i32) -> (i32, i32) {
    %c0_i32 = arith.constant 0 : i32
    %c0_i32_0 = arith.constant 0 : i32
    %c0_i32_1 = arith.constant 0 : i32
    return %c0_i32, %c0_i32_0 : i32, i32
  }
  func.func @transform_11(%arg0: i32) -> (i32, i32) {
    %c0_i32 = arith.constant 0 : i32
    %c0_i32_0 = arith.constant 0 : i32
    return %arg0, %c0_i32 : i32, i32
  }
  func.func @transform_12(%arg0: i32) -> (i32, i32) {
    %c0_i32 = arith.constant 0 : i32
    %c0_i32_0 = arith.constant 0 : i32
    return %arg0, %c0_i32 : i32, i32
  }
  func.func @transform_13(%arg0: i32) -> (i32, i32) {
    %c0_i32 = arith.constant 0 : i32
    %c0_i32_0 = arith.constant 0 : i32
    return %arg0, %c0_i32 : i32, i32
  }
  func.func @transform_14(%arg0: i32) -> (i32, i32) {
    %c0_i32 = arith.constant 0 : i32
    %c0_i32_0 = arith.constant 0 : i32
    return %arg0, %c0_i32 : i32, i32
  }
}

module attributes {stable_mosaic.version = 14 : i64} {
  func.func @_dec_body(%arg0: i32, %arg1: memref<200x32xf32, #tpu.memory_space<vmem>>, %arg2: memref<32x10000xf32, #tpu.memory_space<vmem>>, %arg3: memref<200x10000xf32, #tpu.memory_space<vmem>>) attributes {dimension_semantics = [#tpu.dimension_semantics<arbitrary>], iteration_bounds = array<i64: 50>, scalar_prefetch = 0 : i64, scratch_operands = 0 : i64, tpu.core_type = #tpu.core_type<tc>, window_params = [{transform_indices = @transform_0, window_bounds = array<i64: 200, 32>}, {pipeline_mode = #tpu.pipeline_mode<synchronous>, transform_indices = @transform_1, window_bounds = array<i64: 32, 10000>}, {transform_indices = @transform_2, window_bounds = array<i64: 200, 10000>}]} {
    %get3A = arith.constant 0 : index
    %get3A_0 = arith.constant 0 : index
    %get3A_1 = vector.load %arg1[%get3A, %get3A_0] : memref<200x32xf32, #tpu.memory_space<vmem>>, vector<200x32xf32>
    %get3A_2 = arith.constant 0 : index
    %get3A_3 = arith.constant 0 : index
    %get3A_4 = vector.load %arg2[%get3A_2, %get3A_3] : memref<32x10000xf32, #tpu.memory_space<vmem>>, vector<32x10000xf32>
    %dot_general3A = arith.constant dense<0.000000e+00> : vector<200x10000xf32>
    %dot_general3A_5 = tpu.matmul %get3A_1, %get3A_4, %dot_general3A {dimension_numbers = #tpu.dot_dimension_numbers<[1], [0], [0], [1], [0, 0, 1, 1], [], []>, transpose_lhs_hint = false} : vector<200x32xf32>, vector<32x10000xf32>, vector<200x10000xf32> -> vector<200x10000xf32>
    %mul3A = arith.constant 5.000000e-01 : f32
    %mul3A_6 = vector.broadcast %mul3A : f32 to vector<200x10000xf32>
    %mul3A_7 = arith.mulf %mul3A_6, %dot_general3A_5 : vector<200x10000xf32>
    %tanh3A = math.tanh %mul3A_7 : vector<200x10000xf32>
    %mul3A_8 = arith.constant 5.000000e-01 : f32
    %mul3A_9 = vector.broadcast %mul3A_8 : f32 to vector<200x10000xf32>
    %mul3A_10 = arith.mulf %mul3A_9, %tanh3A : vector<200x10000xf32>
    %add3A = arith.constant 5.000000e-01 : f32
    %add3A_11 = vector.broadcast %add3A : f32 to vector<200x10000xf32>
    %add3A_12 = arith.addf %mul3A_10, %add3A_11 : vector<200x10000xf32>
    %swap3A = arith.constant 0 : index
    %swap3A_13 = arith.constant 0 : index
    %swap3A_14 = vector.load %arg3[%swap3A, %swap3A_13] : memref<200x10000xf32, #tpu.memory_space<vmem>>, vector<200x10000xf32>
    tpu.vector_store %arg3[%swap3A, %swap3A_13], %add3A_12 {strides = array<i32>} : memref<200x10000xf32, #tpu.memory_space<vmem>>, vector<200x10000xf32>,
    return
  }
  func.func @transform_0(%arg0: i32) -> (i32, i32) {
    %c0_i32 = arith.constant 0 : i32
    %c0_i32_0 = arith.constant 0 : i32
    return %arg0, %c0_i32 : i32, i32
  }
  func.func @transform_1(%arg0: i32) -> (i32, i32) {
    %c0_i32 = arith.constant 0 : i32
    %c0_i32_0 = arith.constant 0 : i32
    %c0_i32_1 = arith.constant 0 : i32
    return %c0_i32, %c0_i32_0 : i32, i32
  }
  func.func @transform_2(%arg0: i32) -> (i32, i32) {
    %c0_i32 = arith.constant 0 : i32
    %c0_i32_0 = arith.constant 0 : i32
    return %arg0, %c0_i32 : i32, i32
  }
}

</mosaic_0001>

<sc_bundles>
// kernel: kernel.11.cloned.1.call-start
scs
__scs_entry_jumppad:
0x0: {  	(pc) =	sbr.rel $0x88, $3  }
0x1: {  	(tag) =	ssettag $0x0;
	lr =	simm.s32 $0x1  }
0x2: {  	[smem:$0x3F96] =	sst lr;
	_ =	strace $0xD0000000  }
0x3: {  	_ = 	snop  }
0x4: {  	_ = 	snop  }
0x5: {  	_ = 	snop  }
0x6: {  	_ = 	snop  }
0x7: {  	_ = 	snop  }
__scs_overlays_trampoline_lowered:
0x8: {  	[smem:$0x3FA5] =	sst s0  }
0x9: {  	[smem:$0x3FA6] =	sst s1  }
0xa: {  	[smem:$0x3FA7] =	sst s2  }
0xb: {  	[smem:$0x3FA8] =	sst s3  }
0xc: {  	[smem:$0x3FA9] =	sst s4  }
0xd: {  	[smem:$0x3FAA] =	sst s5  }
0xe: {  	[smem:$0x3FAB] =	sst s6  }
0xf: {  	[smem:$0x3FAC] =	sst s7  }
0x10: {  	[smem:$0x3FAD] =	sst s8  }
0x11: {  	[smem:$0x3FAE] =	sst s9;
	s0 =	simm.s32 @!p0 $0x0  }
0x12: {  	s1 =	sld [smem:$0x3F94];
	s0 =	simm.s32 @p0 $0x1  }
0x13: {  	[smem:$0x3FAF] =	sst s0;
	s0 =	simm.s32 @!p1 $0x0  }
0x14: {  	s2 =	sld [smem:$0x3F93];
	s0 =	simm.s32 @p1 $0x1  }
0x15: {  	[smem:$0x3FB0] =	sst s0;
	s0 =	simm.s32 @!p2 $0x0  }
0x16: {  	s3 =	sld [smem:$0x3FDB];
	s0 =	simm.s32 @p2 $0x1  }
0x17: {  	s4 =	simm.s32 $0x1BF5;
	[smem:$0x3FB2] =	sst s0  }
0x18: {  	s0 =	sld [smem:$0x3F95];
	_ =	swait.ge [sflag:s4], $0x0  }
0x19: {  	s7 =	sld [smem:$0x3F96]  }
0x1a: {  	s8 =	sadd.s32 $0xFFFFE003, lr  }
0x1b: {  	s9 =	sadd.s32 $0xFFFFFEF7, lr;
	s5 =	simm.s32 $0xFFFFFFFF;
	p2 =	slt.u32 s8, $0xFFFFF086  }
0x1c: {  	p1 =	slt.u32 s9, $0xF7A;
	s5 =	simm.s32 @!p2 $0x0  }
0x1d: {  	s5 =	simm.s32 @p1 $0x1;
	p0 =	seq.s32 s7, s2  }
0x1e: {  	s7 =	smul.u32 @!p0 $0xF7A, s2;
	p2 =	seq.s32 @!p0 s5, $0x0  }
0x1f: {  	s9 =	smul.u32 $0xF7A, s1;
	s8 =	simm.s32 @!p0 $0x1BF5;
	p2 =	por !p2, p0  }
0x20: {  	[sflag:s8] =	ssyncset.s32 @!p0 $0xFFFFF086;
	s6 =	sadd.s32 @!p0 s3, s7;
	s7 =	simm.s32 @!p0 $0x108  }
0x21: {  	s3 =	sadd.s32 s3, s9;
	s6 =	sadd.s32 @!p0 $0x88, s6;
	s7 =	simm.s32 @p2 $0x1082  }
0x22: {  	[simem:s7], [sflag:s8] =	dma.local @!p0 [hbm:s6], $0xF7A  }
0x23: {  	s9 =	sor.u32 $0xD0000000, s2;
	s6 =	simm.s32 $0x108;
	_ =	swait.ge @!p0 [sflag:s8], $0x0  }
0x24: {  	s3 =	sadd.s32 $0x88, s3;
	s6 =	simm.s32 @!p1 $0x1082;
	[sflag:s4] =	ssyncset.s32 $0xFFFFF086  }
0x25: {  	[simem:s6], [sflag:s4] =	dma.local [hbm:s3], $0xF7A  }
0x26: {  	[smem:$0x3F96] =	sst s1;
	(tag) =	ssettag s2;
	_ =	strace s9  }
0x27: {  	s1 =	sld [smem:$0x3FA6]  }
0x28: {  	s2 =	sld [smem:$0x3FA7]  }
0x29: {  	s4 =	sld [smem:$0x3FA9]  }
0x2a: {  	p0 =	seq.s32 s5, $0x0;
	s5 =	sld [smem:$0x3FAA]  }
0x2b: {  	s6 =	sld [smem:$0x3FAB]  }
0x2c: {  	s7 =	sld [smem:$0x3FAC]  }
0x2d: {  	s3 =	simm.s32 $0x108;
	s8 =	sld [smem:$0x3FAD]  }
0x2e: {  	s3 =	simm.s32 @!p0 $0x1082;
	s9 =	sld [smem:$0x3FAE]  }
0x2f: {  	lr =	sadd.s32 s0, s3;
	s0 =	sld [smem:$0x3FA5]  }
0x30: {  	s3 =	sld [smem:$0x3FA8]  }
0x31: {  	[smem:$0x3FB1] =	sst s10  }
0x32: {  	s10 =	sld [smem:$0x3FAF];
	_ =	sdelay $0x3  }
0x33: {  	p0 =	seq.s32 s10, $0x1;
	s10 =	sld [smem:$0x3FB1];
	_ =	sdelay $0x3  }
0x34: {  	[smem:$0x3FB1] =	sst s10  }
0x35: {  	s10 =	sld [smem:$0x3FB0];
	_ =	sdelay $0x3  }
0x36: {  	p1 =	seq.s32 s10, $0x1;
	s10 =	sld [smem:$0x3FB1];
	_ =	sdelay $0x3  }
0x37: {  	[smem:$0x3FB1] =	sst s10  }
0x38: {  	s10 =	sld [smem:$0x3FB2]  }
0x39: {  	_ = 	snop;
	(pc) =	sbr.ind lr, $3  }
0x3a: {  	_ = 	snop  }
0x3b: {  	_ = 	snop  }
0x3c: {  	p2 =	seq.s32 s10, $0x1;
	s10 =	sld [smem:$0x3FB1]  }
0x3d: {  	_ =	shalt  }
0x3e: {  	_ =	shalt  }
0x3f: {  	_ =	shalt  }
0x40: {  	_ =	shalt  }
0x41: {  	_ =	shalt  }
0x42: {  	_ =	shalt  }
0x43: {  	_ =	shalt  }
0x44: {  	_ =	shalt  }
0x45: {  	_ =	shalt  }
0x46: {  	_ =	shalt  }
0x47: {  	_ =	shalt  }
0x48: {  	_ =	shalt  }
0x49: {  	_ =	shalt  }
0x4a: {  	_ =	shalt  }
0x4b: {  	_ =	shalt  }
0x4c: {  	_ =	shalt  }
0x4d: {  	_ =	shalt  }
0x4e: {  	_ =	shalt  }
0x4f: {  	_ =	shalt  }
0x50: {  	_ =	shalt  }
0x51: {  	_ =	shalt  }
0x52: {  	_ =	shalt  }
0x53: {  	_ =	shalt  }
0x54: {  	_ =	shalt  }
0x55: {  	_ =	shalt  }
0x56: {  	_ =	shalt  }
0x57: {  	_ =	shalt  }
0x58: {  	_ =	shalt  }
0x59: {  	_ =	shalt  }
0x5a: {  	_ =	shalt  }
0x5b: {  	_ =	shalt  }
0x5c: {  	_ =	shalt  }
0x5d: {  	_ =	shalt  }
0x5e: {  	_ =	shalt  }
0x5f: {  	_ =	shalt  }
0x60: {  	_ =	shalt  }
0x61: {  	_ =	shalt  }
0x62: {  	_ =	shalt  }
0x63: {  	_ =	shalt  }
0x64: {  	_ =	shalt  }
0x65: {  	_ =	shalt  }
0x66: {  	_ =	shalt  }
0x67: {  	_ =	shalt  }
0x68: {  	_ =	shalt  }
0x69: {  	_ =	shalt  }
0x6a: {  	_ =	shalt  }
0x6b: {  	_ =	shalt  }
0x6c: {  	_ =	shalt  }
0x6d: {  	_ =	shalt  }
0x6e: {  	_ =	shalt  }
0x6f: {  	_ =	shalt  }
0x70: {  	_ =	shalt  }
0x71: {  	_ =	shalt  }
0x72: {  	_ =	shalt  }
0x73: {  	_ =	shalt  }
0x74: {  	_ =	shalt  }
0x75: {  	_ =	shalt  }
0x76: {  	_ =	shalt  }
0x77: {  	_ =	shalt  }
0x78: {  	_ =	shalt  }
0x79: {  	_ =	shalt  }
0x7a: {  	_ =	shalt  }
0x7b: {  	_ =	shalt  }
0x7c: {  	_ =	shalt  }
0x7d: {  	_ =	shalt  }
0x7e: {  	_ =	shalt  }
0x7f: {  	_ =	shalt  }
0x80: {  	_ =	shalt  }
0x81: {  	_ =	shalt  }
0x82: {  	_ =	shalt  }
0x83: {  	_ =	shalt  }
0x84: {  	_ =	shalt  }
0x85: {  	_ =	shalt  }
0x86: {  	_ =	shalt  }
0x87: {  	_ =	shalt  }
.Lfunc_end0:
.L_simem_size_0:
called_computation.1_lowered:
.L_overlay_start_0:
0x88: {  	s2 =	sld [smem:$0x3FD9]  }
0x89: {  	s3 =	sld [smem:$0x3FFE];
	_ =	sdelay $0x1  }
0x8a: {  	s1 =	srdreg.scid  }
0x8b: {  	s0 =	sand.u32 $0x1, s1  }
0x8c: {  	s14 =	sshll.u32 s0, $0xA;
	s2 =	sadd.s32 s3, s2  }
0x8d: {  	s2 =	sadd.s32 s2, s14  }
0x8e: {  	[smem:$0x3FBD] =	sst s2  }
0x8f: {  	_ = 	snop  }
0x90: {  	s2 =	sld [smem:$0x3FD0];
	_ =	sdelay $0x2  }
0x91: {  	s15 =	simm.s32 $0xA;
	s4 =	simm.s32 $0x10  }
0x92: {  	[smem:s4], [sflag:s15] =	dma.local [hbm:s2], $0x1  }
0x93: {  	_ =	swait.eq [sflag:s15], $0x1  }
0x94: {  	[sflag:s15] =	ssyncset.done $0x0  }
0x95: {  	s16 =	sld [smem:$0x11];
	[sflag:s15] =	ssyncadd.s32 $0xFFFFFFFF  }
0x96: {  	s17 =	sld [smem:$0x12];
	(tm) =	ssettm $0x1  }
0x97: {  	s18 =	sld [smem:$0x3FFB];
	_ =	sdelay $0x3  }
0x98: {  	_ =	strace s18  }
0x99: {  	s4 =	sld [smem:$0x3FFC];
	_ =	sdelay $0x3  }
0x9a: {  	_ =	strace s4  }
0x9b: {  	s4 =	sld [smem:$0x3FFD];
	_ =	sdelay $0x3  }
0x9c: {  	_ =	strace s4  }
0x9d: {  	_ =	strace $0x8FFFFFFF  }
0x9e: {  	s19 =	sld [smem:$0x3FDB];
	_ =	sdelay $0x1  }
0x9f: {  	s5 =	simm.s32 $_scs_section_size  }
0xa0: {  	s6 =	simm.s32 $_size__tile_overlayer_lowered;
	s7 =	simm.s32 $_tile_overlayer_lowered  }
0xa1: {  	s22 =	simm.s32 $0x1BFF;
	s21 =	sshll.u32 s7, $0x1;
	s4 =	sadd.s32 s5, s19  }
0xa2: {  	s8 =	simm.s32 $0x0;
	s20 =	sshll.u32 s6, $0x1;
	s6 =	sadd.s32 s21, s4  }
0xa3: {  	[timem:s8], [sflag:s22] =	dma.local [hbm:s6], s20  }
0xa4: {  	_ =	swait.ge [sflag:s22], s20  }
0xa5: {  	s5 =	ssub.s32 $0x0, s20;
	[sflag:s22] =	ssyncset.done $0x0  }
0xa6: {  	[sflag:s22] =	ssyncadd.s32 s5;
	_ =	sdelay $0x1  }
0xa7: {  	s23 =	simm.s32 $0x1B8B  }
0xa8: {  	_ =	swait.ge [sflag:s23], $0x1  }
0xa9: {  	[sflag:s23] =	ssyncset.done $0x0  }
0xaa: {  	s25 =	simm.s32 $0x1B8E;
	s24 =	sld [smem:$0x3FFE];
	[sflag:s23] =	ssyncadd.s32 $0xFFFFFFFF  }
0xab: {  	s26 =	simm.s32 $execute0_lowered;
	[smem:$0x3FD2] =	sst s25  }
0xac: {  	s6 =	sshll.u32 s26, $0x1;
	_ =	strace $0x80000049;
	[dreg:$0x1] =	wrdreg $0xFFFFFFFF  }
0xad: {  	s28 =	simm.s32 $_size_execute0_lowered;
	s4 =	sadd.s32 s4, s6;
	[dreg:$0x0] =	wrdreg $0x0  }
0xae: {  	s6 =	sshll.u32 s28, $0x1;
	[dreg:$0x2] =	wrdreg s4  }
0xaf: {  	[dreg:$0x3] =	wrdreg s6  }
0xb0: {  	[dreg:$0x4] =	wrdreg $0xC0  }
0xb1: {  	_ =	task [dreg:s8], $0x5FFFF  }
0xb2: {  	[dreg:$0x1] =	wrdreg $0xFFFFFFFF  }
0xb3: {  	[dreg:$0x0] =	wrdreg $0x60  }
0xb4: {  	[dreg:$0x2] =	wrdreg s24  }
0xb5: {  	[dreg:$0x3] =	wrdreg s17  }
0xb6: {  	[dreg:$0x4] =	wrdreg s16  }
0xb7: {  	[dreg:$0x5] =	wrdreg $0x7F000  }
0xb8: {  	[dreg:$0x6] =	wrdreg $0x9  }
0xb9: {  	_ =	task.clear_ibuf [dreg:s8], $0x7FFFF;
	_ =	strace $0x90000049  }
0xba: {  	s29 =	simm.s32 $0x9;
	_ =	strace $0x8000004B  }
0xbb: {  	_ =	swait.ge [sflag:s29], $0x1  }
0xbc: {  	[sflag:s29] =	ssyncadd.s32 $0xFFFFFFFF  }
0xbd: {  	_ =	strace $0x9000004B  }
0xbe: {  	_ =	sfence  }
0xbf: {  	s30 =	sld [smem:$0x0];
	_ =	sdelay $0x2  }
0xc0: {  	s31 =	sshll.u32 s1, $0xD;
	s1 =	sshrl.u32 s1, $0x2  }
0xc1: {  	s3 =	sand.u32 $0x4000, s31;
	s1 =	sadd.s32 s1, s30  }
0xc2: {  	s0 =	sor.u32 s3, s0;
	s1 =	sshll.u32 s1, $0x11  }
0xc3: {  	s0 =	sor.u32 s1, s0  }
0xc4: {  	s0 =	sadd.s32 $0x8F2B, s0  }
0xc5: {  	[sflag:s0] =	ssyncadd.remote.s32 $0x1  }
0xc6: {  	_ =	sfence.sel $0xFFFF  }
0xc7: {  	[dreg:$0x0] =	wrdreg $0xFFFFFFFF;
	(pc) =	sbr.abs _section_cstart, $3  }
0xc8: {  	[dreg:$0x1] =	wrdreg $0xFFFFFFFF  }
0xc9: {  	_ =	task.clear_ibuf [dreg:s8], $0x2FFFF;
	_ =	strace $0x9FFFFFFF  }
0xca: {  	(tm) =	ssettm $0x7FFFFFFF  }
0xcb: {  	_ =	shalt  }
tec
execute0_lowered:
.L_overlay_start_1:
0x0: {  	(tag) =	ssettag $0x1  }
0x1: {  	s0 =	rddreg [dreg:$0x0]  }
0x2: {  	s6 =	rddreg [dreg:$0x1]  }
0x3: {  	s7 =	rddreg [dreg:$0x2]  }
0x4: {  	s1 =	rddreg [dreg:$0x3];
	s4 =	srdreg.scid  }
0x5: {  	s2 =	stileid.u32;
	s3 =	simm.s32 $0x0;
	s13 =	simm.s32 $0x80  }
0x6: {  	s14 =	simm.s32 $0x4F00;
	s15 =	simm.s32 $0x5F00;
	s16 =	simm.s32 $0x1  }
0x7: {  	s17 =	simm.s32 $0x100;
	s18 =	simm.s32 $0x6F00;
	s19 =	simm.s32 $0x2  }
0x8: {  	s20 =	simm.s32 $0x2800;
	s21 =	simm.s32 $0x4;
	s22 =	simm.s32 $0x180  }
0x9: {  	s23 =	simm.s32 $0x3;
	s24 =	simm.s32 $0x5;
	s28 =	simm.s32 $0x4E00  }
0xa: {  	s29 =	simm.s32 $0x4E80;
	s30 =	simm.s32 $0x0;
	s8 =	sand.u32 $0x1, s4  }
0xb: {  	s26 =	sshll.u32 s2, $0x1;
	[smem:$0x7FF] =	sst s3;
	s5 =	sadd.s32 $0x11600, s0  }
0xc: {  	s31 =	smul.u32 $0x4F00, s2;
	s4 =	sor.u32 s8, s26;
	_ =	strace $0x8000004A  }
0xd: {  	s9 =	ssub.s32 $0x2, s8;
	p0 =	seq.s32 s8, $0x1;
	s26 =	simm.s32 $0x6  }
0xe: {  	s10 =	smul.u32 $0x4F0, s4;
	s4 =	sadd.s32 $0x2600, s0;
	s11 =	sshrl.u32 s9, $0x1  }
0xf: {  	s12 =	sshrl.u32 s31, $0x3;
	s25 =	sadd.s32 s31, s1;
	s9 =	ssub.s32 s9, s11  }
0x10: {  	s6 =	sadd.s32 s6, s10;
	s7 =	sadd.s32 s7, s10;
	s10 =	simm.s32 $0x42C00  }
0x11: {  	s11 =	simm.s32 $0x7;
	s25 =	sshrl.u32 s25, $0x3;
	s10 =	simm.s32 @!p0 $0x4CA00  }
0x12: {  	s8 =	smax.u32 s9, $0x1;
	p0 =	sne.s32 s2, $0x0;
	s0 =	sadd.s32 s10, s0  }
0x13: {  	s10 =	sshrl.u32 @!p0 s1, $0x3;
	s9 =	sadd.s32 s0, s12;
	s12 =	simm.s32 $0x2780  }
.LBB2_1:
0x14: {  	s0 =	simm.s32 @!p0 $0x1C07  }
0x15: {  	[spmem:s10], [sflag:s0] =	dma.local @!p0 [hbm:s5], $0x9E00  }
0x16: {  	s0 =	simm.s32 @!p0 $0x7  }
0x17: {  	_ =	swait.ge @!p0 [sflag:s0], $0x9E00  }
0x18: {  	[sflag:s0] =	ssyncset.done @!p0 $0x0  }
0x19: {  	[sflag:s0] =	ssyncadd.s32 @!p0 $0xFFFF6200  }
0x1a: {  	[tilespmem:s3], [sflag:$0x7] =	stream.linear.gather [hbm4b:s6+s3], $0x2780, $0x38;
	[tilespmem:$0xCE00] =	vst v63  }
0x1b: {  	_ =	swait.ge [sflag:s11], $0x2780  }
0x1c: {  	[sflag:s11] =	ssyncset.done $0x0  }
0x1d: {  	[sflag:s11] =	ssyncadd.s32 $0xFFFFD880  }
0x1e: {  	[tilespmem:s12], [sflag:$0x7] =	stream.linear.gather [hbm4b:s7+s3], $0x2780, $0x38;
	[tilespmem:$0xCE00] =	vst v63  }
0x1f: {  	_ =	swait.ge [sflag:s11], $0x2780  }
0x20: {  	[sflag:s11] =	ssyncset.done $0x0  }
0x21: {  	[sflag:s11] =	ssyncadd.s32 $0xFFFFD880  }
0x22: {  	[bflag:$0x0] =	sbarrier.arrive $0xFFFF  }
0x23: {  	[tilespmem:s14], [sflag:$0x1] =	stream.indirect.gather [hbm4b:s4+s13], $0x20, s3, s13, $0xb8;
	[tilespmem:$0xCE00] =	vst v63  }
0x24: {  	_ = 	snop  }
0x25: {  	[tilespmem:s15], [sflag:$0x2] =	stream.indirect.gather [hbm4b:s4+s13], $0x20, s13, s13, $0xb8;
	[tilespmem:$0xCE00] =	vst v63  }
0x26: {  	_ =	swait.ge [sflag:s16], $0x1000  }
0x27: {  	[sflag:s16] =	ssyncset.done $0x0  }
0x28: {  	[sflag:s16] =	ssyncadd.s32 $0xFFFFF000  }
0x29: {  	[spmem:s1] =	stream.indirect.scatter.add.f32 [tilespmem:s14], [sflag:$0x4], $0x20, s12, s13, $0xb8;
	[tilespmem:$0xCE00] =	vst v63  }
0x2a: {  	_ = 	snop  }
0x2b: {  	[tilespmem:s18], [sflag:$0x3] =	stream.indirect.gather [hbm4b:s4+s13], $0x20, s17, s13, $0xb8;
	[tilespmem:$0xCE00] =	vst v63  }
0x2c: {  	_ =	swait.ge [sflag:s19], $0x1000  }
0x2d: {  	[sflag:s19] =	ssyncset.done $0x0  }
0x2e: {  	[sflag:s19] =	ssyncadd.s32 $0xFFFFF000  }
0x2f: {  	[spmem:s1] =	stream.indirect.scatter.add.f32 [tilespmem:s15], [sflag:$0x5], $0x20, s20, s13, $0xb8;
	[tilespmem:$0xCE00] =	vst v63  }
0x30: {  	_ =	swait.ge [sflag:s21], $0x1000  }
0x31: {  	[sflag:s21] =	ssyncset.done $0x0  }
0x32: {  	[sflag:s21] =	ssyncadd.s32 $0xFFFFF000  }
0x33: {  	[tilespmem:s14], [sflag:$0x1] =	stream.indirect.gather [hbm4b:s4+s13], $0x20, s22, s13, $0xb8;
	[tilespmem:$0xCE00] =	vst v63  }
0x34: {  	_ =	swait.ge [sflag:s23], $0x1000  }
0x35: {  	[sflag:s23] =	ssyncset.done $0x0  }
0x36: {  	s2 =	simm.s32 $0x2880;
	[sflag:s23] =	ssyncadd.s32 $0xFFFFF000  }
0x37: {  	[spmem:s1] =	stream.indirect.scatter.add.f32 [tilespmem:s18], [sflag:$0x6], $0x20, s2, s13, $0xb8;
	[tilespmem:$0xCE00] =	vst v63  }
0x38: {  	_ =	swait.ge [sflag:s24], $0x1000  }
0x39: {  	[sflag:s24] =	ssyncset.done $0x0  }
0x3a: {  	s2 =	simm.s32 $0x200;
	[sflag:s24] =	ssyncadd.s32 $0xFFFFF000  }
0x3b: {  	[tilespmem:s15], [sflag:$0x2] =	stream.indirect.gather [hbm4b:s4+s13], $0x20, s2, s13, $0xb8;
	[tilespmem:$0xCE00] =	vst v63  }
0x3c: {  	_ =	swait.ge [sflag:s16], $0x1000  }
0x3d: {  	[sflag:s16] =	ssyncset.done $0x0  }
0x3e: {  	s2 =	simm.s32 $0x2900;
	[sflag:s16] =	ssyncadd.s32 $0xFFFFF000  }
0x3f: {  	[spmem:s1] =	stream.indirect.scatter.add.f32 [tilespmem:s14], [sflag:$0x4], $0x20, s2, s13, $0xb8;
	[tilespmem:$0xCE00] =	vst v63  }
0x40: {  	_ =	swait.ge [sflag:s26], $0x1000  }
0x41: {  	[sflag:s26] =	ssyncset.done $0x0  }
0x42: {  	s2 =	simm.s32 $0x280;
	[sflag:s26] =	ssyncadd.s32 $0xFFFFF000  }
0x43: {  	[tilespmem:s18], [sflag:$0x3] =	stream.indirect.gather [hbm4b:s4+s13], $0x20, s2, s13, $0xb8;
	[tilespmem:$0xCE00] =	vst v63  }
0x44: {  	_ =	swait.ge [sflag:s19], $0x1000  }
0x45: {  	[sflag:s19] =	ssyncset.done $0x0  }
0x46: {  	s2 =	simm.s32 $0x2980;
	[sflag:s19] =	ssyncadd.s32 $0xFFFFF000  }
0x47: {  	[spmem:s1] =	stream.indirect.scatter.add.f32 [tilespmem:s15], [sflag:$0x5], $0x20, s2, s13, $0xb8;
	[tilespmem:$0xCE00] =	vst v63  }
0x48: {  	_ =	swait.ge [sflag:s21], $0x1000  }
0x49: {  	[sflag:s21] =	ssyncset.done $0x0  }
0x4a: {  	s31 =	simm.s32 $0x600;
	s0 =	simm.s32 $0x300;
	[sflag:s21] =	ssyncadd.s32 $0xFFFFF000  }
.LBB2_2:
0x4b: {  	[tilespmem:s14], [sflag:$0x1] =	stream.indirect.gather [hbm4b:s4+s13], $0x20, s0, s13, $0xb8;
	[tilespmem:$0xCE00] =	vst v63  }
0x4c: {  	s0 =	smov.u32 s31  }
0x4d: {  	p1 =	sne.s32 s31, $0x9000;
	s31 =	sadd.s32 $0x600, s31;
	_ =	swait.ge [sflag:s23], $0x1000  }
0x4e: {  	s0 =	sshra.s32 s0, $0x2;
	[sflag:s23] =	ssyncset.done $0x0  }
0x4f: {  	s2 =	sadd.s32 $0x2880, s0;
	[sflag:s23] =	ssyncadd.s32 $0xFFFFF000  }
0x50: {  	[spmem:s1] =	stream.indirect.scatter.add.f32 [tilespmem:s18], [sflag:$0x6], $0x20, s2, s13, $0xb8;
	[tilespmem:$0xCE00] =	vst v63  }
0x51: {  	_ =	swait.ge [sflag:s24], $0x1000  }
0x52: {  	[sflag:s24] =	ssyncset.done $0x0  }
0x53: {  	s2 =	sadd.s32 $0x200, s0;
	[sflag:s24] =	ssyncadd.s32 $0xFFFFF000  }
0x54: {  	[tilespmem:s15], [sflag:$0x2] =	stream.indirect.gather [hbm4b:s4+s13], $0x20, s2, s13, $0xb8;
	[tilespmem:$0xCE00] =	vst v63  }
0x55: {  	_ =	swait.ge [sflag:s16], $0x1000  }
0x56: {  	[sflag:s16] =	ssyncset.done $0x0  }
0x57: {  	s2 =	sadd.s32 $0x2900, s0;
	[sflag:s16] =	ssyncadd.s32 $0xFFFFF000  }
0x58: {  	[spmem:s1] =	stream.indirect.scatter.add.f32 [tilespmem:s14], [sflag:$0x4], $0x20, s2, s13, $0xb8;
	[tilespmem:$0xCE00] =	vst v63  }
0x59: {  	_ =	swait.ge [sflag:s26], $0x1000  }
0x5a: {  	[sflag:s26] =	ssyncset.done $0x0  }
0x5b: {  	s2 =	sadd.s32 $0x280, s0;
	[sflag:s26] =	ssyncadd.s32 $0xFFFFF000  }
0x5c: {  	[tilespmem:s18], [sflag:$0x3] =	stream.indirect.gather [hbm4b:s4+s13], $0x20, s2, s13, $0xb8;
	[tilespmem:$0xCE00] =	vst v63  }
0x5d: {  	_ =	swait.ge [sflag:s19], $0x1000  }
0x5e: {  	[sflag:s19] =	ssyncset.done $0x0  }
.Ltmp0:
0x5f: {  	s2 =	sadd.s32 $0x2980, s0;
	[sflag:s19] =	ssyncadd.s32 $0xFFFFF000;
	(pc) =	sbr.rel @p1 .LBB2_2-.Ltmp0, $4  }
0x60: {  	[spmem:s1] =	stream.indirect.scatter.add.f32 [tilespmem:s15], [sflag:$0x5], $0x20, s2, s13, $0xb8;
	[tilespmem:$0xCE00] =	vst v63  }
0x61: {  	_ =	swait.ge [sflag:s21], $0x1000  }
0x62: {  	[sflag:s21] =	ssyncset.done $0x0  }
0x63: {  	s0 =	sadd.s32 $0x300, s0;
	[sflag:s21] =	ssyncadd.s32 $0xFFFFF000  }
0x64: {  	[tilespmem:s14], [sflag:$0x1] =	stream.indirect.gather [hbm4b:s4+s13], $0x20, s0, s13, $0xb8;
	[tilespmem:$0xCE00] =	vst v63  }
0x65: {  	_ =	swait.ge [sflag:s23], $0x1000  }
0x66: {  	[sflag:s23] =	ssyncset.done $0x0  }
0x67: {  	[sflag:s23] =	ssyncadd.s32 $0xFFFFF000  }
0x68: {  	[spmem:s1] =	stream.indirect.scatter.add.f32 [tilespmem:s18], [sflag:$0x6], $0x20, s28, s13, $0xb8;
	[tilespmem:$0xCE00] =	vst v63  }
0x69: {  	_ =	swait.ge [sflag:s24], $0x1000  }
0x6a: {  	[sflag:s24] =	ssyncset.done $0x0  }
0x6b: {  	[sflag:s24] =	ssyncadd.s32 $0xFFFFF000  }
0x6c: {  	_ =	swait.ge [sflag:s16], $0x1000  }
0x6d: {  	[sflag:s16] =	ssyncset.done $0x0  }
0x6e: {  	[sflag:s16] =	ssyncadd.s32 $0xFFFFF000  }
0x6f: {  	[spmem:s1] =	stream.indirect.scatter.add.f32 [tilespmem:s14], [sflag:$0x4], $0x20, s29, s13, $0xb8;
	[tilespmem:$0xCE00] =	vst v63  }
0x70: {  	_ =	swait.ge [sflag:s26], $0x1000  }
0x71: {  	[sflag:s26] =	ssyncset.done $0x0  }
0x72: {  	[sflag:s26] =	ssyncadd.s32 $0xFFFFF000  }
0x73: {  	_ =	swait.ge [sflag:s21], $0x1000  }
0x74: {  	s31 =	stileid.u32;
	s30 =	sadd.s32 $0x1, s30;
	[sflag:s21] =	ssyncset.done $0x0  }
0x75: {  	s0 =	sshll.u32 s31, $0x6;
	p1 =	sne.s32 s30, s8;
	[sflag:s21] =	ssyncadd.s32 $0xFFFFF000  }
.Ltmp1:
0x76: {  	s0 =	sor.u32 $0x1C07, s0;
	[bflag:$0x0] =	sbarrier.arrive $0xFFFF;
	(pc) =	sbr.rel @p1 .LBB2_1-.Ltmp1, $4  }
0x77: {  	[hbm:s9], [sflag:s0] =	dma.local [spmem:s25], $0x9E0  }
0x78: {  	_ =	swait.ge [sflag:s11], $0x9E0  }
0x79: {  	[sflag:s11] =	ssyncset.done $0x0  }
0x7a: {  	[sflag:s11] =	ssyncadd.s32 $0xFFFFF620  }
0x7b: {  	_ =	sfence.sel $0x180000  }
0x7c: {  	[bflag:$0x0] =	sbarrier.arrive $0xFFFF  }
0x7d: {  	_ =	strace $0x9000004A  }
0x7e: {  	[bflag:$0x2] =	sbarrier.arrive $0xFFFF  }
0x7f: {  	s0 =	rddreg [dreg:$0x4]  }
0x80: {  	s0 =	sadd.s32 @!p0 $0x100000, s0  }
0x81: {  	[sflag:s0] =	ssyncadd.tile.s32 @!p0 $0x1;
	_ =	shalt  }
.Lfunc_end2:
_tile_overlayer_lowered:
.L_overlay_start_2:
0x82: {  	(tag) =	ssettag $0x2  }
0x83: {  	s0 =	rddreg [dreg:$0x0];
	s2 =	stileid.u32  }
0x84: {  	s1 =	rddreg [dreg:$0x1];
	p0 =	sne.s32 s2, $0x0  }
0x85: {  	s3 =	rddreg [dreg:$0x2];
	[bflag:$0x3] =	sbarrier.arrive $0xFFFF;
	s2 =	simm.s32 @!p0 $0x1C07  }
0x86: {  	[timem:s3], [sflag:s2] =	dma.local @!p0 [hbm:s0], s1  }
0x87: {  	s0 =	simm.s32 @!p0 $0x7  }
0x88: {  	_ =	swait.ge @!p0 [sflag:s0], s1  }
0x89: {  	s1 =	ssub.s32 @!p0 $0x0, s1;
	[sflag:s0] =	ssyncset.done @!p0 $0x0  }
0x8a: {  	[sflag:s0] =	ssyncadd.s32 @!p0 s1  }
0x8b: {  	[bflag:$0x3] =	sbarrier.arrive $0xFFFF  }
0x8c: {  	_ =	shalt  }

// kernel: kernel.8.cloned.1.call-start
scs
__scs_entry_jumppad:
0x0: {  	(pc) =	sbr.rel $0x88, $3  }
0x1: {  	(tag) =	ssettag $0x0;
	lr =	simm.s32 $0x1  }
0x2: {  	[smem:$0x3F96] =	sst lr;
	_ =	strace $0xD0000000  }
0x3: {  	_ = 	snop  }
0x4: {  	_ = 	snop  }
0x5: {  	_ = 	snop  }
0x6: {  	_ = 	snop  }
0x7: {  	_ = 	snop  }
__scs_overlays_trampoline_lowered:
0x8: {  	[smem:$0x3FA5] =	sst s0  }
0x9: {  	[smem:$0x3FA6] =	sst s1  }
0xa: {  	[smem:$0x3FA7] =	sst s2  }
0xb: {  	[smem:$0x3FA8] =	sst s3  }
0xc: {  	[smem:$0x3FA9] =	sst s4  }
0xd: {  	[smem:$0x3FAA] =	sst s5  }
0xe: {  	[smem:$0x3FAB] =	sst s6  }
0xf: {  	[smem:$0x3FAC] =	sst s7  }
0x10: {  	[smem:$0x3FAD] =	sst s8  }
0x11: {  	[smem:$0x3FAE] =	sst s9;
	s0 =	simm.s32 @!p0 $0x0  }
0x12: {  	s1 =	sld [smem:$0x3F94];
	s0 =	simm.s32 @p0 $0x1  }
0x13: {  	[smem:$0x3FAF] =	sst s0;
	s0 =	simm.s32 @!p1 $0x0  }
0x14: {  	s2 =	sld [smem:$0x3F93];
	s0 =	simm.s32 @p1 $0x1  }
0x15: {  	[smem:$0x3FB0] =	sst s0;
	s0 =	simm.s32 @!p2 $0x0  }
0x16: {  	s3 =	sld [smem:$0x3FDB];
	s0 =	simm.s32 @p2 $0x1  }
0x17: {  	s4 =	simm.s32 $0x1BF5;
	[smem:$0x3FB2] =	sst s0  }
0x18: {  	s0 =	sld [smem:$0x3F95];
	_ =	swait.ge [sflag:s4], $0x0  }
0x19: {  	s7 =	sld [smem:$0x3F96]  }
0x1a: {  	s8 =	sadd.s32 $0xFFFFE003, lr  }
0x1b: {  	s9 =	sadd.s32 $0xFFFFFEF7, lr;
	s5 =	simm.s32 $0xFFFFFFFF;
	p2 =	slt.u32 s8, $0xFFFFF086  }
0x1c: {  	p1 =	slt.u32 s9, $0xF7A;
	s5 =	simm.s32 @!p2 $0x0  }
0x1d: {  	s5 =	simm.s32 @p1 $0x1;
	p0 =	seq.s32 s7, s2  }
0x1e: {  	s7 =	smul.u32 @!p0 $0xF7A, s2;
	p2 =	seq.s32 @!p0 s5, $0x0  }
0x1f: {  	s9 =	smul.u32 $0xF7A, s1;
	s8 =	simm.s32 @!p0 $0x1BF5;
	p2 =	por !p2, p0  }
0x20: {  	[sflag:s8] =	ssyncset.s32 @!p0 $0xFFFFF086;
	s6 =	sadd.s32 @!p0 s3, s7;
	s7 =	simm.s32 @!p0 $0x108  }
0x21: {  	s3 =	sadd.s32 s3, s9;
	s6 =	sadd.s32 @!p0 $0x88, s6;
	s7 =	simm.s32 @p2 $0x1082  }
0x22: {  	[simem:s7], [sflag:s8] =	dma.local @!p0 [hbm:s6], $0xF7A  }
0x23: {  	s9 =	sor.u32 $0xD0000000, s2;
	s6 =	simm.s32 $0x108;
	_ =	swait.ge @!p0 [sflag:s8], $0x0  }
0x24: {  	s3 =	sadd.s32 $0x88, s3;
	s6 =	simm.s32 @!p1 $0x1082;
	[sflag:s4] =	ssyncset.s32 $0xFFFFF086  }
0x25: {  	[simem:s6], [sflag:s4] =	dma.local [hbm:s3], $0xF7A  }
0x26: {  	[smem:$0x3F96] =	sst s1;
	(tag) =	ssettag s2;
	_ =	strace s9  }
0x27: {  	s1 =	sld [smem:$0x3FA6]  }
0x28: {  	s2 =	sld [smem:$0x3FA7]  }
0x29: {  	s4 =	sld [smem:$0x3FA9]  }
0x2a: {  	p0 =	seq.s32 s5, $0x0;
	s5 =	sld [smem:$0x3FAA]  }
0x2b: {  	s6 =	sld [smem:$0x3FAB]  }
0x2c: {  	s7 =	sld [smem:$0x3FAC]  }
0x2d: {  	s3 =	simm.s32 $0x108;
	s8 =	sld [smem:$0x3FAD]  }
0x2e: {  	s3 =	simm.s32 @!p0 $0x1082;
	s9 =	sld [smem:$0x3FAE]  }
0x2f: {  	lr =	sadd.s32 s0, s3;
	s0 =	sld [smem:$0x3FA5]  }
0x30: {  	s3 =	sld [smem:$0x3FA8]  }
0x31: {  	[smem:$0x3FB1] =	sst s10  }
0x32: {  	s10 =	sld [smem:$0x3FAF];
	_ =	sdelay $0x3  }
0x33: {  	p0 =	seq.s32 s10, $0x1;
	s10 =	sld [smem:$0x3FB1];
	_ =	sdelay $0x3  }
0x34: {  	[smem:$0x3FB1] =	sst s10  }
0x35: {  	s10 =	sld [smem:$0x3FB0];
	_ =	sdelay $0x3  }
0x36: {  	p1 =	seq.s32 s10, $0x1;
	s10 =	sld [smem:$0x3FB1];
	_ =	sdelay $0x3  }
0x37: {  	[smem:$0x3FB1] =	sst s10  }
0x38: {  	s10 =	sld [smem:$0x3FB2]  }
0x39: {  	_ = 	snop;
	(pc) =	sbr.ind lr, $3  }
0x3a: {  	_ = 	snop  }
0x3b: {  	_ = 	snop  }
0x3c: {  	p2 =	seq.s32 s10, $0x1;
	s10 =	sld [smem:$0x3FB1]  }
0x3d: {  	_ =	shalt  }
0x3e: {  	_ =	shalt  }
0x3f: {  	_ =	shalt  }
0x40: {  	_ =	shalt  }
0x41: {  	_ =	shalt  }
0x42: {  	_ =	shalt  }
0x43: {  	_ =	shalt  }
0x44: {  	_ =	shalt  }
0x45: {  	_ =	shalt  }
0x46: {  	_ =	shalt  }
0x47: {  	_ =	shalt  }
0x48: {  	_ =	shalt  }
0x49: {  	_ =	shalt  }
0x4a: {  	_ =	shalt  }
0x4b: {  	_ =	shalt  }
0x4c: {  	_ =	shalt  }
0x4d: {  	_ =	shalt  }
0x4e: {  	_ =	shalt  }
0x4f: {  	_ =	shalt  }
0x50: {  	_ =	shalt  }
0x51: {  	_ =	shalt  }
0x52: {  	_ =	shalt  }
0x53: {  	_ =	shalt  }
0x54: {  	_ =	shalt  }
0x55: {  	_ =	shalt  }
0x56: {  	_ =	shalt  }
0x57: {  	_ =	shalt  }
0x58: {  	_ =	shalt  }
0x59: {  	_ =	shalt  }
0x5a: {  	_ =	shalt  }
0x5b: {  	_ =	shalt  }
0x5c: {  	_ =	shalt  }
0x5d: {  	_ =	shalt  }
0x5e: {  	_ =	shalt  }
0x5f: {  	_ =	shalt  }
0x60: {  	_ =	shalt  }
0x61: {  	_ =	shalt  }
0x62: {  	_ =	shalt  }
0x63: {  	_ =	shalt  }
0x64: {  	_ =	shalt  }
0x65: {  	_ =	shalt  }
0x66: {  	_ =	shalt  }
0x67: {  	_ =	shalt  }
0x68: {  	_ =	shalt  }
0x69: {  	_ =	shalt  }
0x6a: {  	_ =	shalt  }
0x6b: {  	_ =	shalt  }
0x6c: {  	_ =	shalt  }
0x6d: {  	_ =	shalt  }
0x6e: {  	_ =	shalt  }
0x6f: {  	_ =	shalt  }
0x70: {  	_ =	shalt  }
0x71: {  	_ =	shalt  }
0x72: {  	_ =	shalt  }
0x73: {  	_ =	shalt  }
0x74: {  	_ =	shalt  }
0x75: {  	_ =	shalt  }
0x76: {  	_ =	shalt  }
0x77: {  	_ =	shalt  }
0x78: {  	_ =	shalt  }
0x79: {  	_ =	shalt  }
0x7a: {  	_ =	shalt  }
0x7b: {  	_ =	shalt  }
0x7c: {  	_ =	shalt  }
0x7d: {  	_ =	shalt  }
0x7e: {  	_ =	shalt  }
0x7f: {  	_ =	shalt  }
0x80: {  	_ =	shalt  }
0x81: {  	_ =	shalt  }
0x82: {  	_ =	shalt  }
0x83: {  	_ =	shalt  }
0x84: {  	_ =	shalt  }
0x85: {  	_ =	shalt  }
0x86: {  	_ =	shalt  }
0x87: {  	_ =	shalt  }
.Lfunc_end0:
.L_simem_size_0:
called_computation_lowered:
.L_overlay_start_0:
0x88: {  	s2 =	sld [smem:$0x3FD9]  }
0x89: {  	s3 =	sld [smem:$0x3FFE];
	_ =	sdelay $0x1  }
0x8a: {  	s1 =	srdreg.scid  }
0x8b: {  	s0 =	sand.u32 $0x1, s1  }
0x8c: {  	s14 =	sshll.u32 s0, $0xA;
	s2 =	sadd.s32 s3, s2  }
0x8d: {  	s2 =	sadd.s32 s2, s14  }
0x8e: {  	[smem:$0x3FBD] =	sst s2  }
0x8f: {  	_ = 	snop  }
0x90: {  	s2 =	sld [smem:$0x3FD0];
	_ =	sdelay $0x2  }
0x91: {  	s15 =	simm.s32 $0xA;
	s4 =	simm.s32 $0x10  }
0x92: {  	[smem:s4], [sflag:s15] =	dma.local [hbm:s2], $0x1  }
0x93: {  	_ =	swait.eq [sflag:s15], $0x1  }
0x94: {  	s16 =	sld [smem:$0x10];
	[sflag:s15] =	ssyncset.done $0x0  }
0x95: {  	s17 =	sld [smem:$0x11];
	[sflag:s15] =	ssyncadd.s32 $0xFFFFFFFF  }
0x96: {  	s18 =	sld [smem:$0x12];
	(tm) =	ssettm $0x1  }
0x97: {  	s5 =	sld [smem:$0x3FFB];
	_ =	sdelay $0x3  }
0x98: {  	_ =	strace s5  }
0x99: {  	s5 =	sld [smem:$0x3FFC];
	_ =	sdelay $0x3  }
0x9a: {  	_ =	strace s5  }
0x9b: {  	s5 =	sld [smem:$0x3FFD];
	_ =	sdelay $0x3  }
0x9c: {  	_ =	strace s5  }
0x9d: {  	_ =	strace $0x8FFFFFFF  }
0x9e: {  	s19 =	sld [smem:$0x3FDB];
	_ =	sdelay $0x1  }
0x9f: {  	s6 =	simm.s32 $_scs_section_size  }
0xa0: {  	s7 =	simm.s32 $_size__tile_overlayer_lowered;
	s8 =	simm.s32 $_tile_overlayer_lowered  }
0xa1: {  	s22 =	simm.s32 $0x1BFF;
	s21 =	sshll.u32 s8, $0x1;
	s5 =	sadd.s32 s6, s19  }
0xa2: {  	s9 =	simm.s32 $0x0;
	s20 =	sshll.u32 s7, $0x1;
	s7 =	sadd.s32 s21, s5  }
0xa3: {  	[timem:s9], [sflag:s22] =	dma.local [hbm:s7], s20  }
0xa4: {  	_ =	swait.ge [sflag:s22], s20  }
0xa5: {  	s6 =	ssub.s32 $0x0, s20;
	[sflag:s22] =	ssyncset.done $0x0  }
0xa6: {  	[sflag:s22] =	ssyncadd.s32 s6;
	_ =	sdelay $0x1  }
0xa7: {  	s23 =	simm.s32 $0x1B8B  }
0xa8: {  	_ =	swait.ge [sflag:s23], $0x1  }
0xa9: {  	[sflag:s23] =	ssyncset.done $0x0  }
0xaa: {  	s25 =	simm.s32 $0x1B8E;
	s24 =	sld [smem:$0x3FFE];
	[sflag:s23] =	ssyncadd.s32 $0xFFFFFFFF  }
0xab: {  	s26 =	simm.s32 $execute0_lowered;
	[smem:$0x3FD2] =	sst s25  }
0xac: {  	s7 =	sshll.u32 s26, $0x1;
	_ =	strace $0x80000046;
	[dreg:$0x1] =	wrdreg $0xFFFFFFFF  }
0xad: {  	s28 =	simm.s32 $_size_execute0_lowered;
	s5 =	sadd.s32 s5, s7;
	[dreg:$0x0] =	wrdreg $0x0  }
0xae: {  	s7 =	sshll.u32 s28, $0x1;
	[dreg:$0x2] =	wrdreg s5  }
0xaf: {  	[dreg:$0x3] =	wrdreg s7  }
0xb0: {  	[dreg:$0x4] =	wrdreg $0xC0  }
0xb1: {  	_ =	task [dreg:s9], $0x5FFFF  }
0xb2: {  	[dreg:$0x1] =	wrdreg $0xFFFFFFFF  }
0xb3: {  	[dreg:$0x0] =	wrdreg $0x60  }
0xb4: {  	[dreg:$0x2] =	wrdreg s24  }
0xb5: {  	[dreg:$0x3] =	wrdreg s18  }
0xb6: {  	[dreg:$0x4] =	wrdreg s17  }
0xb7: {  	[dreg:$0x5] =	wrdreg s16  }
0xb8: {  	[dreg:$0x6] =	wrdreg $0x7F000  }
0xb9: {  	[dreg:$0x7] =	wrdreg $0xD6000  }
0xba: {  	[dreg:$0x8] =	wrdreg $0x9  }
0xbb: {  	_ =	task.clear_ibuf [dreg:s9], $0x9FFFF;
	_ =	strace $0x90000046  }
0xbc: {  	s29 =	simm.s32 $0x9;
	_ =	strace $0x80000048  }
0xbd: {  	_ =	swait.ge [sflag:s29], $0x1  }
0xbe: {  	[sflag:s29] =	ssyncadd.s32 $0xFFFFFFFF  }
0xbf: {  	_ =	strace $0x90000048  }
0xc0: {  	_ =	sfence  }
0xc1: {  	s30 =	sld [smem:$0x0];
	_ =	sdelay $0x2  }
0xc2: {  	s31 =	sshll.u32 s1, $0xD;
	s1 =	sshrl.u32 s1, $0x2  }
0xc3: {  	s3 =	sand.u32 $0x4000, s31;
	s1 =	sadd.s32 s1, s30  }
0xc4: {  	s0 =	sor.u32 s3, s0;
	s1 =	sshll.u32 s1, $0x11  }
0xc5: {  	s0 =	sor.u32 s1, s0  }
0xc6: {  	s0 =	sadd.s32 $0x8F2B, s0  }
0xc7: {  	[sflag:s0] =	ssyncadd.remote.s32 $0x1  }
0xc8: {  	_ =	sfence.sel $0xFFFF  }
0xc9: {  	[dreg:$0x0] =	wrdreg $0xFFFFFFFF;
	(pc) =	sbr.abs _section_cstart, $3  }
0xca: {  	[dreg:$0x1] =	wrdreg $0xFFFFFFFF  }
0xcb: {  	_ =	task.clear_ibuf [dreg:s9], $0x2FFFF;
	_ =	strace $0x9FFFFFFF  }
0xcc: {  	(tm) =	ssettm $0x7FFFFFFF  }
0xcd: {  	_ =	shalt  }
tec
execute0_lowered:
.L_overlay_start_1:
0x0: {  	(tag) =	ssettag $0x1  }
0x1: {  	s0 =	rddreg [dreg:$0x0]  }
0x2: {  	s5 =	rddreg [dreg:$0x1]  }
0x3: {  	s6 =	rddreg [dreg:$0x2]  }
0x4: {  	s7 =	rddreg [dreg:$0x3]  }
0x5: {  	s1 =	rddreg [dreg:$0x4]  }
0x6: {  	s2 =	rddreg [dreg:$0x5]  }
0x7: {  	s3 =	simm.s32 $0x0;
	s8 =	srdreg.scid;
	s16 =	stileid.u32  }
0x8: {  	s17 =	simm.s32 $0x2780;
	s18 =	simm.s32 $0xCE00;
	s28 =	simm.s32 $0x2  }
0x9: {  	s29 =	simm.s32 $0x2800;
	s30 =	simm.s32 $0x4;
	s31 =	simm.s32 $0x4E00  }
0xa: {  	[smem:$0x7FF] =	sst s3;
	s4 =	sadd.s32 $0x2600, s0;
	s9 =	sadd.s32 $0x11600, s0  }
0xb: {  	s8 =	sand.u32 $0x1, s8;
	s19 =	sshll.u32 s16, $0x1;
	s10 =	sadd.s32 $0xC600, s0  }
0xc: {  	s20 =	sadd.s32 $0xC400, s0;
	s12 =	sadd.s32 $0x1B400, s0;
	s13 =	sadd.s32 $0x25200, s0  }
0xd: {  	s14 =	smul.u32 $0x4F00, s16;
	_ =	strace $0x80000047;
	[dreg:$0x7] =	wrdreg s9  }
0xe: {  	s0 =	sadd.s32 $0x2A200, s0;
	s15 =	smul.u32 $0x2780, s16;
	[dreg:$0x8] =	wrdreg s10  }
0xf: {  	[dreg:$0x9] =	wrdreg s20;
	s9 =	sor.u32 s8, s19;
	s21 =	ssub.s32 $0x2, s8  }
0x10: {  	p0 =	seq.s32 s8, $0x1;
	s19 =	simm.s32 $0x80;
	s20 =	simm.s32 $0x4F00  }
0x11: {  	s9 =	smul.u32 $0x4F0, s9;
	s11 =	sshrl.u32 s21, $0x1;
	s23 =	sshrl.u32 s14, $0x3  }
0x12: {  	s24 =	sadd.s32 s14, s1;
	s25 =	sshrl.u32 s15, $0x3;
	s26 =	sadd.s32 s15, s2  }
0x13: {  	s7 =	smov.u32 @p0 s12;
	s13 =	smov.u32 @p0 s0;
	p0 =	sne.s32 s16, $0x0  }
0x14: {  	s16 =	simm.s32 $0x7;
	s0 =	simm.s32 $0x3;
	s11 =	ssub.s32 s21, s11  }
0x15: {  	s12 =	sadd.s32 s7, s23;
	s13 =	sadd.s32 s13, s25;
	s14 =	sshrl.u32 @!p0 s1, $0x3  }
0x16: {  	s15 =	sshrl.u32 @!p0 s2, $0x3;
	s21 =	simm.s32 $0x5F00;
	s24 =	sshrl.u32 s24, $0x3  }
0x17: {  	s25 =	sshrl.u32 s26, $0x3;
	s26 =	simm.s32 $0x6F00;
	s23 =	simm.s32 $0x6  }
0x18: {  	s7 =	simm.s32 $0x0;
	s5 =	sadd.s32 s5, s9;
	s22 =	sadd.s32 s6, s9  }
0x19: {  	s11 =	smax.u32 s11, $0x1;
	s6 =	simm.s32 $0x4E80;
	[dreg:$0xa] =	wrdreg s5  }
0x1a: {  	[dreg:$0xb] =	wrdreg s22;
	s22 =	simm.s32 $0x1;
	s5 =	simm.s32 $0x5  }
.LBB2_1:
0x1b: {  	s8 =	simm.s32 @!p0 $0x1C07;
	s9 =	rddreg [dreg:$0x7]  }
0x1c: {  	[spmem:s14], [sflag:s8] =	dma.local @!p0 [hbm:s9], $0x9E00  }
0x1d: {  	s9 =	simm.s32 @!p0 $0x7  }
0x1e: {  	_ =	swait.ge @!p0 [sflag:s9], $0x9E00  }
0x1f: {  	[sflag:s9] =	ssyncset.done @!p0 $0x0  }
0x20: {  	s10 =	rddreg [dreg:$0x8];
	[sflag:s9] =	ssyncadd.s32 @!p0 $0xFFFF6200  }
0x21: {  	[spmem:s15], [sflag:s8] =	dma.local @!p0 [hbm:s10], $0x4F00  }
0x22: {  	_ =	swait.ge @!p0 [sflag:s9], $0x4F00  }
0x23: {  	[sflag:s9] =	ssyncset.done @!p0 $0x0  }
0x24: {  	[sflag:s9] =	ssyncadd.s32 @!p0 $0xFFFFB100;
	s9 =	rddreg [dreg:$0xa]  }
0x25: {  	[tilespmem:s3], [sflag:$0x7] =	stream.linear.gather [hbm4b:s9+s3], $0x2780, $0x38;
	[tilespmem:$0xFD80] =	vst v63  }
0x26: {  	_ =	swait.ge [sflag:s16], $0x2780  }
0x27: {  	[sflag:s16] =	ssyncset.done $0x0  }
0x28: {  	s10 =	rddreg [dreg:$0xb];
	[sflag:s16] =	ssyncadd.s32 $0xFFFFD880  }
0x29: {  	[tilespmem:s17], [sflag:$0x7] =	stream.linear.gather [hbm4b:s10+s3], $0x2780, $0x38;
	[tilespmem:$0xFD80] =	vst v63  }
0x2a: {  	_ =	swait.ge [sflag:s16], $0x2780  }
0x2b: {  	[sflag:s16] =	ssyncset.done $0x0  }
0x2c: {  	s9 =	rddreg [dreg:$0x9];
	[sflag:s16] =	ssyncadd.s32 $0xFFFFD880  }
0x2d: {  	[tilespmem:s18], [sflag:$0x7] =	stream.linear.gather [hbm4b:s9+s3], $0x800, $0x38;
	[tilespmem:$0xFD80] =	vst v63  }
0x2e: {  	_ =	swait.ge [sflag:s16], $0x800  }
0x2f: {  	[sflag:s16] =	ssyncset.done $0x0  }
0x30: {  	[sflag:s16] =	ssyncadd.s32 $0xFFFFF800  }
0x31: {  	[bflag:$0x0] =	sbarrier.arrive $0xFFFF  }
0x32: {  	[tilespmem:s20], [sflag:$0x1] =	stream.indirect.gather [hbm4b:s4+s19], $0x20, s3, s19, $0xb8;
	[tilespmem:$0xFD80] =	vst v63  }
0x33: {  	_ = 	snop  }
0x34: {  	[tilespmem:s21], [sflag:$0x2] =	stream.indirect.gather [hbm4b:s4+s19], $0x20, s19, s19, $0xb8;
	[tilespmem:$0xFD80] =	vst v63  }
0x35: {  	_ =	swait.ge [sflag:s22], $0x1000  }
0x36: {  	[sflag:s22] =	ssyncset.done $0x0  }
0x37: {  	[sflag:s22] =	ssyncadd.s32 $0xFFFFF000  }
0x38: {  	[spmem:s1] =	stream.indirect.scatter.add.f32 [tilespmem:s20], [sflag:$0x4], $0x20, s17, s19, $0xb8;
	[tilespmem:$0xFD80] =	vst v63  }
0x39: {  	_ = 	snop  }
0x3a: {  	[spmem:s2] =	stream.indirect.scatter.add.f32 [tilespmem:s18], [sflag:$0x4], $0x10, s17, s19, $0xb8;
	[tilespmem:$0xFD80] =	vst v63  }
0x3b: {  	s10 =	simm.s32 $0x100  }
0x3c: {  	[tilespmem:s26], [sflag:$0x3] =	stream.indirect.gather [hbm4b:s4+s19], $0x20, s10, s19, $0xb8;
	[tilespmem:$0xFD80] =	vst v63  }
0x3d: {  	_ =	swait.ge [sflag:s28], $0x1000  }
0x3e: {  	[sflag:s28] =	ssyncset.done $0x0  }
0x3f: {  	[sflag:s28] =	ssyncadd.s32 $0xFFFFF000  }
0x40: {  	[spmem:s1] =	stream.indirect.scatter.add.f32 [tilespmem:s21], [sflag:$0x5], $0x20, s29, s19, $0xb8;
	[tilespmem:$0xFD80] =	vst v63  }
0x41: {  	_ = 	snop  }
0x42: {  	[spmem:s2] =	stream.indirect.scatter.add.f32 [tilespmem:s18], [sflag:$0x5], $0x10, s29, s19, $0xb8;
	[tilespmem:$0xFD80] =	vst v63  }
0x43: {  	_ =	swait.ge [sflag:s30], $0x1000  }
0x44: {  	[sflag:s30] =	ssyncset.done $0x0  }
0x45: {  	[sflag:s30] =	ssyncadd.s32 $0xFFFFF000  }
0x46: {  	_ =	swait.ge [sflag:s30], $0x800  }
0x47: {  	[sflag:s30] =	ssyncset.done $0x0  }
0x48: {  	s9 =	simm.s32 $0x180;
	[sflag:s30] =	ssyncadd.s32 $0xFFFFF800  }
0x49: {  	[tilespmem:s20], [sflag:$0x1] =	stream.indirect.gather [hbm4b:s4+s19], $0x20, s9, s19, $0xb8;
	[tilespmem:$0xFD80] =	vst v63  }
0x4a: {  	_ =	swait.ge [sflag:s0], $0x1000  }
0x4b: {  	[sflag:s0] =	ssyncset.done $0x0  }
0x4c: {  	s10 =	simm.s32 $0x2880;
	[sflag:s0] =	ssyncadd.s32 $0xFFFFF000  }
0x4d: {  	[spmem:s1] =	stream.indirect.scatter.add.f32 [tilespmem:s26], [sflag:$0x6], $0x20, s10, s19, $0xb8;
	[tilespmem:$0xFD80] =	vst v63  }
0x4e: {  	_ = 	snop  }
0x4f: {  	[spmem:s2] =	stream.indirect.scatter.add.f32 [tilespmem:s18], [sflag:$0x6], $0x10, s10, s19, $0xb8;
	[tilespmem:$0xFD80] =	vst v63  }
0x50: {  	_ =	swait.ge [sflag:s5], $0x1000  }
0x51: {  	[sflag:s5] =	ssyncset.done $0x0  }
0x52: {  	[sflag:s5] =	ssyncadd.s32 $0xFFFFF000  }
0x53: {  	_ =	swait.ge [sflag:s5], $0x800  }
0x54: {  	[sflag:s5] =	ssyncset.done $0x0  }
0x55: {  	s9 =	simm.s32 $0x200;
	[sflag:s5] =	ssyncadd.s32 $0xFFFFF800  }
0x56: {  	[tilespmem:s21], [sflag:$0x2] =	stream.indirect.gather [hbm4b:s4+s19], $0x20, s9, s19, $0xb8;
	[tilespmem:$0xFD80] =	vst v63  }
0x57: {  	_ =	swait.ge [sflag:s22], $0x1000  }
0x58: {  	[sflag:s22] =	ssyncset.done $0x0  }
0x59: {  	s10 =	simm.s32 $0x2900;
	[sflag:s22] =	ssyncadd.s32 $0xFFFFF000  }
0x5a: {  	[spmem:s1] =	stream.indirect.scatter.add.f32 [tilespmem:s20], [sflag:$0x4], $0x20, s10, s19, $0xb8;
	[tilespmem:$0xFD80] =	vst v63  }
0x5b: {  	_ = 	snop  }
0x5c: {  	[spmem:s2] =	stream.indirect.scatter.add.f32 [tilespmem:s18], [sflag:$0x4], $0x10, s10, s19, $0xb8;
	[tilespmem:$0xFD80] =	vst v63  }
0x5d: {  	_ =	swait.ge [sflag:s23], $0x1000  }
0x5e: {  	[sflag:s23] =	ssyncset.done $0x0  }
0x5f: {  	[sflag:s23] =	ssyncadd.s32 $0xFFFFF000  }
0x60: {  	_ =	swait.ge [sflag:s23], $0x800  }
0x61: {  	[sflag:s23] =	ssyncset.done $0x0  }
0x62: {  	s9 =	simm.s32 $0x280;
	[sflag:s23] =	ssyncadd.s32 $0xFFFFF800  }
0x63: {  	[tilespmem:s26], [sflag:$0x3] =	stream.indirect.gather [hbm4b:s4+s19], $0x20, s9, s19, $0xb8;
	[tilespmem:$0xFD80] =	vst v63  }
0x64: {  	_ =	swait.ge [sflag:s28], $0x1000  }
0x65: {  	[sflag:s28] =	ssyncset.done $0x0  }
0x66: {  	s10 =	simm.s32 $0x2980;
	[sflag:s28] =	ssyncadd.s32 $0xFFFFF000  }
0x67: {  	[spmem:s1] =	stream.indirect.scatter.add.f32 [tilespmem:s21], [sflag:$0x5], $0x20, s10, s19, $0xb8;
	[tilespmem:$0xFD80] =	vst v63  }
0x68: {  	_ = 	snop  }
0x69: {  	[spmem:s2] =	stream.indirect.scatter.add.f32 [tilespmem:s18], [sflag:$0x5], $0x10, s10, s19, $0xb8;
	[tilespmem:$0xFD80] =	vst v63  }
0x6a: {  	_ =	swait.ge [sflag:s30], $0x1000  }
0x6b: {  	[sflag:s30] =	ssyncset.done $0x0  }
0x6c: {  	[sflag:s30] =	ssyncadd.s32 $0xFFFFF000  }
0x6d: {  	_ =	swait.ge [sflag:s30], $0x800  }
0x6e: {  	[sflag:s30] =	ssyncset.done $0x0  }
0x6f: {  	s8 =	simm.s32 $0x600;
	s9 =	simm.s32 $0x300;
	[sflag:s30] =	ssyncadd.s32 $0xFFFFF800  }
.LBB2_2:
0x70: {  	[tilespmem:s20], [sflag:$0x1] =	stream.indirect.gather [hbm4b:s4+s19], $0x20, s9, s19, $0xb8;
	[tilespmem:$0xFD80] =	vst v63  }
0x71: {  	s9 =	smov.u32 s8  }
0x72: {  	p1 =	sne.s32 s8, $0x9000;
	s8 =	sadd.s32 $0x600, s8;
	_ =	swait.ge [sflag:s0], $0x1000  }
0x73: {  	s9 =	sshra.s32 s9, $0x2;
	[sflag:s0] =	ssyncset.done $0x0  }
0x74: {  	s10 =	sadd.s32 $0x2880, s9;
	[sflag:s0] =	ssyncadd.s32 $0xFFFFF000  }
0x75: {  	[spmem:s1] =	stream.indirect.scatter.add.f32 [tilespmem:s26], [sflag:$0x6], $0x20, s10, s19, $0xb8;
	[tilespmem:$0xFD80] =	vst v63  }
0x76: {  	_ = 	snop  }
0x77: {  	[spmem:s2] =	stream.indirect.scatter.add.f32 [tilespmem:s18], [sflag:$0x6], $0x10, s10, s19, $0xb8;
	[tilespmem:$0xFD80] =	vst v63  }
0x78: {  	_ =	swait.ge [sflag:s5], $0x1000  }
0x79: {  	[sflag:s5] =	ssyncset.done $0x0  }
0x7a: {  	[sflag:s5] =	ssyncadd.s32 $0xFFFFF000  }
0x7b: {  	_ =	swait.ge [sflag:s5], $0x800  }
0x7c: {  	[sflag:s5] =	ssyncset.done $0x0  }
0x7d: {  	s10 =	sadd.s32 $0x200, s9;
	[sflag:s5] =	ssyncadd.s32 $0xFFFFF800  }
0x7e: {  	[tilespmem:s21], [sflag:$0x2] =	stream.indirect.gather [hbm4b:s4+s19], $0x20, s10, s19, $0xb8;
	[tilespmem:$0xFD80] =	vst v63  }
0x7f: {  	_ =	swait.ge [sflag:s22], $0x1000  }
0x80: {  	[sflag:s22] =	ssyncset.done $0x0  }
0x81: {  	s10 =	sadd.s32 $0x2900, s9;
	[sflag:s22] =	ssyncadd.s32 $0xFFFFF000  }
0x82: {  	[spmem:s1] =	stream.indirect.scatter.add.f32 [tilespmem:s20], [sflag:$0x4], $0x20, s10, s19, $0xb8;
	[tilespmem:$0xFD80] =	vst v63  }
0x83: {  	_ = 	snop  }
0x84: {  	[spmem:s2] =	stream.indirect.scatter.add.f32 [tilespmem:s18], [sflag:$0x4], $0x10, s10, s19, $0xb8;
	[tilespmem:$0xFD80] =	vst v63  }
0x85: {  	_ =	swait.ge [sflag:s23], $0x1000  }
0x86: {  	[sflag:s23] =	ssyncset.done $0x0  }
0x87: {  	[sflag:s23] =	ssyncadd.s32 $0xFFFFF000  }
0x88: {  	_ =	swait.ge [sflag:s23], $0x800  }
0x89: {  	[sflag:s23] =	ssyncset.done $0x0  }
0x8a: {  	s10 =	sadd.s32 $0x280, s9;
	[sflag:s23] =	ssyncadd.s32 $0xFFFFF800  }
0x8b: {  	[tilespmem:s26], [sflag:$0x3] =	stream.indirect.gather [hbm4b:s4+s19], $0x20, s10, s19, $0xb8;
	[tilespmem:$0xFD80] =	vst v63  }
0x8c: {  	_ =	swait.ge [sflag:s28], $0x1000  }
0x8d: {  	[sflag:s28] =	ssyncset.done $0x0  }
0x8e: {  	s10 =	sadd.s32 $0x2980, s9;
	[sflag:s28] =	ssyncadd.s32 $0xFFFFF000  }
0x8f: {  	[spmem:s1] =	stream.indirect.scatter.add.f32 [tilespmem:s21], [sflag:$0x5], $0x20, s10, s19, $0xb8;
	[tilespmem:$0xFD80] =	vst v63  }
0x90: {  	_ = 	snop  }
0x91: {  	[spmem:s2] =	stream.indirect.scatter.add.f32 [tilespmem:s18], [sflag:$0x5], $0x10, s10, s19, $0xb8;
	[tilespmem:$0xFD80] =	vst v63  }
0x92: {  	_ =	swait.ge [sflag:s30], $0x1000  }
.Ltmp0:
0x93: {  	[sflag:s30] =	ssyncset.done $0x0;
	(pc) =	sbr.rel @p1 .LBB2_2-.Ltmp0, $4  }
0x94: {  	[sflag:s30] =	ssyncadd.s32 $0xFFFFF000  }
0x95: {  	_ =	swait.ge [sflag:s30], $0x800  }
0x96: {  	[sflag:s30] =	ssyncset.done $0x0  }
0x97: {  	s9 =	sadd.s32 $0x300, s9;
	[sflag:s30] =	ssyncadd.s32 $0xFFFFF800  }
0x98: {  	[tilespmem:s20], [sflag:$0x1] =	stream.indirect.gather [hbm4b:s4+s19], $0x20, s9, s19, $0xb8;
	[tilespmem:$0xFD80] =	vst v63  }
0x99: {  	_ =	swait.ge [sflag:s0], $0x1000  }
0x9a: {  	[sflag:s0] =	ssyncset.done $0x0  }
0x9b: {  	[sflag:s0] =	ssyncadd.s32 $0xFFFFF000  }
0x9c: {  	[spmem:s1] =	stream.indirect.scatter.add.f32 [tilespmem:s26], [sflag:$0x6], $0x20, s31, s19, $0xb8;
	[tilespmem:$0xFD80] =	vst v63  }
0x9d: {  	_ = 	snop  }
0x9e: {  	[spmem:s2] =	stream.indirect.scatter.add.f32 [tilespmem:s18], [sflag:$0x6], $0x10, s31, s19, $0xb8;
	[tilespmem:$0xFD80] =	vst v63  }
0x9f: {  	_ =	swait.ge [sflag:s5], $0x1000  }
0xa0: {  	[sflag:s5] =	ssyncset.done $0x0  }
0xa1: {  	[sflag:s5] =	ssyncadd.s32 $0xFFFFF000  }
0xa2: {  	_ =	swait.ge [sflag:s5], $0x800  }
0xa3: {  	[sflag:s5] =	ssyncset.done $0x0  }
0xa4: {  	[sflag:s5] =	ssyncadd.s32 $0xFFFFF800  }
0xa5: {  	_ =	swait.ge [sflag:s22], $0x1000  }
0xa6: {  	[sflag:s22] =	ssyncset.done $0x0  }
0xa7: {  	[sflag:s22] =	ssyncadd.s32 $0xFFFFF000  }
0xa8: {  	[spmem:s1] =	stream.indirect.scatter.add.f32 [tilespmem:s20], [sflag:$0x4], $0x20, s6, s19, $0xb8;
	[tilespmem:$0xFD80] =	vst v63  }
0xa9: {  	_ = 	snop  }
0xaa: {  	[spmem:s2] =	stream.indirect.scatter.add.f32 [tilespmem:s18], [sflag:$0x4], $0x10, s6, s19, $0xb8;
	[tilespmem:$0xFD80] =	vst v63  }
0xab: {  	_ =	swait.ge [sflag:s23], $0x1000  }
0xac: {  	[sflag:s23] =	ssyncset.done $0x0  }
0xad: {  	[sflag:s23] =	ssyncadd.s32 $0xFFFFF000  }
0xae: {  	_ =	swait.ge [sflag:s23], $0x800  }
0xaf: {  	[sflag:s23] =	ssyncset.done $0x0  }
0xb0: {  	[sflag:s23] =	ssyncadd.s32 $0xFFFFF800  }
0xb1: {  	_ =	swait.ge [sflag:s30], $0x1000  }
0xb2: {  	[sflag:s30] =	ssyncset.done $0x0  }
0xb3: {  	[sflag:s30] =	ssyncadd.s32 $0xFFFFF000  }
0xb4: {  	_ =	swait.ge [sflag:s30], $0x800  }
0xb5: {  	s8 =	stileid.u32;
	[sflag:s30] =	ssyncset.done $0x0  }
0xb6: {  	s8 =	sshll.u32 s8, $0x6;
	[sflag:s30] =	ssyncadd.s32 $0xFFFFF800  }
0xb7: {  	s8 =	sor.u32 $0x1C07, s8;
	[bflag:$0x0] =	sbarrier.arrive $0xFFFF  }
0xb8: {  	[hbm:s12], [sflag:s8] =	dma.local [spmem:s24], $0x9E0  }
0xb9: {  	s7 =	sadd.s32 $0x1, s7;
	_ =	swait.ge [sflag:s16], $0x9E0  }
0xba: {  	p1 =	sne.s32 s7, s11;
	[sflag:s16] =	ssyncset.done $0x0  }
.Ltmp1:
0xbb: {  	[sflag:s16] =	ssyncadd.s32 $0xFFFFF620;
	(pc) =	sbr.rel @p1 .LBB2_1-.Ltmp1, $4  }
0xbc: {  	[hbm:s13], [sflag:s8] =	dma.local [spmem:s25], $0x4F0  }
0xbd: {  	_ =	swait.ge [sflag:s16], $0x4F0  }
0xbe: {  	[sflag:s16] =	ssyncset.done $0x0  }
0xbf: {  	[sflag:s16] =	ssyncadd.s32 $0xFFFFFB10  }
0xc0: {  	_ =	sfence.sel $0x180000  }
0xc1: {  	[bflag:$0x0] =	sbarrier.arrive $0xFFFF  }
0xc2: {  	_ =	strace $0x90000047  }
0xc3: {  	[bflag:$0x2] =	sbarrier.arrive $0xFFFF  }
0xc4: {  	s0 =	rddreg [dreg:$0x6]  }
0xc5: {  	s0 =	sadd.s32 @!p0 $0x100000, s0  }
0xc6: {  	[sflag:s0] =	ssyncadd.tile.s32 @!p0 $0x1;
	_ =	shalt  }
.Lfunc_end2:
_tile_overlayer_lowered:
.L_overlay_start_2:
0xc7: {  	(tag) =	ssettag $0x2  }
0xc8: {  	s0 =	rddreg [dreg:$0x0];
	s2 =	stileid.u32  }
0xc9: {  	s1 =	rddreg [dreg:$0x1];
	p0 =	sne.s32 s2, $0x0  }
0xca: {  	s3 =	rddreg [dreg:$0x2];
	[bflag:$0x3] =	sbarrier.arrive $0xFFFF;
	s2 =	simm.s32 @!p0 $0x1C07  }
0xcb: {  	[timem:s3], [sflag:s2] =	dma.local @!p0 [hbm:s0], s1  }
0xcc: {  	s0 =	simm.s32 @!p0 $0x7  }
0xcd: {  	_ =	swait.ge @!p0 [sflag:s0], s1  }
0xce: {  	s1 =	ssub.s32 @!p0 $0x0, s1;
	[sflag:s0] =	ssyncset.done @!p0 $0x0  }
0xcf: {  	[sflag:s0] =	ssyncadd.s32 @!p0 s1  }
0xd0: {  	[bflag:$0x3] =	sbarrier.arrive $0xFFFF  }
0xd1: {  	_ =	shalt  }

</sc_bundles>
